<compile_context>
chip_gen: v7x
topology: tpu7x:2x2x1
jax: 0.10.2.dev20260603
libtpu: 0.0.44.dev20260713+nightly
codegen_flags: <defaults>
</compile_context>

<pallas_src>
import functools

import numpy as np
import jax
import jax.numpy as jnp
from jax import lax
from jax.experimental import pallas as pl
from jax.experimental.pallas import tpu as pltpu
from jax.experimental.pallas import tpu_sc as plsc

T = 1000
EMB = 128
BITS = 8
TPAD = 1024
ATBL = 16
SUB = 128

_BETAS = np.linspace(1e-4, 0.02, T, dtype=np.float32)
_AC = np.cumprod((1.0 - _BETAS).astype(np.float32)).astype(np.float32)
_AC_PAD = np.concatenate([_AC, np.zeros(TPAD - T, np.float32)]).reshape(1, TPAD)

_LN1E4 = float(np.log(10000.0))


def _condt_kernel(tf_ref, condt_ref, *, g):
    tf = tf_ref[...]
    half = EMB // 2
    fio = lax.broadcasted_iota(jnp.int32, (1, half), 1).astype(jnp.float32)
    freqs = jnp.exp(fio * (-_LN1E4 / half))
    args = tf * freqs
    condt_ref[...] = jnp.concatenate([jnp.sin(args), jnp.cos(args)], axis=1)


def _seg_kernel(bfr_ref, pos_ref, eps_ref, tf_ref, ac_ref,
                aux_ref, alpha_ref, sigma_ref, bits_ref, sums_ref,
                *, blk, g, nblk):
    i = pl.program_id(0)

    @pl.when(i == 0)
    def _():
        sums_ref[...] = jnp.zeros_like(sums_ref)

    bfr = bfr_ref[0]
    gids = lax.broadcasted_iota(jnp.int32, (g, 1), 0).astype(jnp.float32)
    onehot_t = (gids == bfr).astype(jnp.float32).astype(jnp.bfloat16)
    ones = jnp.ones((blk, 1), jnp.float32)
    zeros = jnp.zeros((blk, 1), jnp.float32)
    vals = jnp.concatenate([pos_ref[...], eps_ref[...], ones, zeros],
                           axis=1).astype(jnp.bfloat16)
    sums_ref[...] += lax.dot_general(
        onehot_t, vals, (((1,), (0,)), ((), ())),
        preferred_element_type=jnp.float32)

    @pl.when(i == nblk - 1)
    def _():
        sums = sums_ref[...]
        counts = sums[:, 6:7]
        denom = jnp.maximum(counts, 1.0)
        mean = sums[:, 0:6] / denom

        tf = tf_ref[...]
        tiota = lax.broadcasted_iota(jnp.int32, (1, TPAD), 1).astype(jnp.float32)
        oh_t = (tf == tiota).astype(jnp.float32)
        ac_t = lax.dot_general(
            oh_t, ac_ref[...], (((1,), (1,)), ((), ())),
            preferred_element_type=jnp.float32)
        alpha = jnp.sqrt(ac_t)
        sigma = jnp.sqrt(1.0 - ac_t)
        alpha_ref[...] = alpha
        sigma_ref[...] = sigma

        ci = counts.astype(jnp.int32)
        bio = lax.broadcasted_iota(jnp.int32, (1, BITS), 1)
        bits_ref[...] = ((ci >> bio) & 1).astype(jnp.float32)

        pad = jnp.zeros((g, ATBL - 8), jnp.float32)
        aux_ref[...] = jnp.concatenate(
            [mean, alpha, sigma, pad], axis=1).astype(jnp.bfloat16)


def _atom_kernel(bf_ref, pos_ref, eps_ref, aux_ref, noisy_ref, eps_out_ref,
                 *, g):
    bf = bf_ref[...]
    gids = lax.broadcasted_iota(jnp.int32, (1, g), 1).astype(jnp.float32)
    onehot = (bf == gids).astype(jnp.float32).astype(jnp.bfloat16)
    gath = jnp.dot(onehot, aux_ref[...],
                   preferred_element_type=jnp.float32)
    mp = gath[:, 0:3]
    me = gath[:, 3:6]
    al = gath[:, 6:7]
    sg = gath[:, 7:8]
    x = pos_ref[...] - mp
    e = eps_ref[...] - me
    eps_out_ref[...] = e
    noisy_ref[...] = al * x + sg * e


def _make_sc_gather(n, g):
    info = plsc.get_sparse_core_info()
    nc, ns = info.num_cores, info.num_subcores
    nw = nc * ns
    nch = n // SUB
    tail = n - nch * SUB
    nch_all = nch + (1 if tail else 0)
    kpw = -(-nch_all // nw)
    wlen = kpw * SUB
    last_len = n - (nw - 1) * wlen
    w_t = nch // kpw
    j_t = nch % kpw
    mesh = plsc.VectorSubcoreMesh(core_axis_name="c", subcore_axis_name="s")

    scratch = [
        pltpu.VMEM_SHARED((g, EMB), jnp.float32),
        pltpu.VMEM((wlen,), jnp.int32),
        pltpu.VMEM((SUB, EMB), jnp.float32),
        pltpu.VMEM((SUB, EMB), jnp.float32),
        pltpu.SemaphoreType.DMA,
        pltpu.SemaphoreType.DMA,
        pltpu.SemaphoreType.DMA,
        pltpu.SemaphoreType.DMA,
    ]
    if tail:
        scratch += [
            pltpu.VMEM((tail, EMB), jnp.float32),
            pltpu.SemaphoreType.DMA,
        ]

    @functools.partial(
        pl.kernel, mesh=mesh,
        out_type=jax.ShapeDtypeStruct((n, EMB), jnp.float32),
        scratch_types=scratch,
    )
    def sc_gather(idx_hbm, table_hbm, out_hbm, shared_tbl, idx_v, rows0,
                  rows1, gsem0, gsem1, wsem0, wsem1, *tail_scratch):
        sid = lax.axis_index("s")
        wid = sid * nc + lax.axis_index("c")

        @pl.when(sid == 0)
        def _():
            pltpu.sync_copy(table_hbm, shared_tbl)

        plsc.subcore_barrier()
        base_row = wid * wlen
        rows = (rows0, rows1)
        gsem = (gsem0, gsem1)
        wsem = (wsem0, wsem1)
        cntf = jnp.clip(nch - wid * kpw, 0, kpw)

        @pl.when(wid < nw - 1)
        def _():
            pltpu.sync_copy(idx_hbm.at[pl.ds(base_row, wlen)], idx_v)

        @pl.when(wid == nw - 1)
        def _():
            pltpu.sync_copy(idx_hbm.at[pl.ds(base_row, last_len)],
                            idx_v.at[pl.ds(0, last_len)])

        def body(jj, carry):
            for b in (0, 1):
                j = 2 * jj + b

                @pl.when(j < cntf)
                def _():
                    @pl.when(j >= 2)
                    def _():
                        pltpu.make_async_copy(
                            rows[b],
                            out_hbm.at[pl.ds(base_row + (j - 2) * SUB, SUB)],
                            wsem[b]).wait()

                    idx_sl = idx_v.at[pl.ds(j * SUB, SUB)]
                    pltpu.async_copy(
                        shared_tbl.at[idx_sl], rows[b], gsem[b]).wait()
                    pltpu.async_copy(
                        rows[b],
                        out_hbm.at[pl.ds(base_row + j * SUB, SUB)],
                        wsem[b])

            return carry

        lax.fori_loop(0, (kpw + 1) // 2, body, 0)

        for b in (0, 1):
            @pl.when(cntf > b)
            def _():
                jl = ((cntf - 1 - b) // 2) * 2 + b
                pltpu.make_async_copy(
                    rows[b],
                    out_hbm.at[pl.ds(base_row + jl * SUB, SUB)],
                    wsem[b]).wait()

        if tail:
            rows_t, tsem = tail_scratch

            @pl.when(wid == w_t)
            def _():
                idx_sl = idx_v.at[pl.ds(j_t * SUB, tail)]
                pltpu.async_copy(shared_tbl.at[idx_sl], rows_t, tsem).wait()
                pltpu.async_copy(
                    rows_t, out_hbm.at[pl.ds(nch * SUB, tail)], tsem).wait()

    return sc_gather


def _pick_blk(n, pref):
    for b in pref:
        if n % b == 0 and b % 8 == 0:
            return b
    return n


def kernel(pos, batch, eps_raw, t):
    n = pos.shape[0]
    g = t.shape[0]
    blk_s = _pick_blk(n, (5000, 4000, 2000, 1024, 1000, 512, 500, 256, 200, 128, 104, 8))
    nblk_s = n // blk_s
    blk_a = _pick_blk(n, (5000, 4000, 2000, 1024, 1000, 512, 500, 256, 200, 128, 104, 8))
    nblk_a = n // blk_a

    bf = batch.astype(jnp.float32).reshape(n, 1)
    bfr = batch.astype(jnp.float32).reshape(nblk_s, 1, blk_s)
    bi = batch.astype(jnp.int32)
    tf = t.astype(jnp.float32)
    ac = jnp.asarray(_AC_PAD)

    condt = pl.pallas_call(
        functools.partial(_condt_kernel, g=g),
        in_specs=[pl.BlockSpec((g, 1), lambda: (0, 0))],
        out_specs=pl.BlockSpec((g, EMB), lambda: (0, 0)),
        out_shape=jax.ShapeDtypeStruct((g, EMB), jnp.float32),
    )(tf)
    cond = _make_sc_gather(n, g)(bi, condt)

    aux, alpha, sigma, bits = pl.pallas_call(
        functools.partial(_seg_kernel, blk=blk_s, g=g, nblk=nblk_s),
        grid=(nblk_s,),
        in_specs=[
            pl.BlockSpec((1, 1, blk_s), lambda i: (i, 0, 0)),
            pl.BlockSpec((blk_s, 3), lambda i: (i, 0)),
            pl.BlockSpec((blk_s, 3), lambda i: (i, 0)),
            pl.BlockSpec((g, 1), lambda i: (0, 0)),
            pl.BlockSpec((1, TPAD), lambda i: (0, 0)),
        ],
        out_specs=[
            pl.BlockSpec((g, ATBL), lambda i: (0, 0)),
            pl.BlockSpec((g, 1), lambda i: (0, 0)),
            pl.BlockSpec((g, 1), lambda i: (0, 0)),
            pl.BlockSpec((g, BITS), lambda i: (0, 0)),
        ],
        out_shape=[
            jax.ShapeDtypeStruct((g, ATBL), jnp.bfloat16),
            jax.ShapeDtypeStruct((g, 1), jnp.float32),
            jax.ShapeDtypeStruct((g, 1), jnp.float32),
            jax.ShapeDtypeStruct((g, BITS), jnp.float32),
        ],
        scratch_shapes=[pltpu.VMEM((g, 8), jnp.float32)],
    )(bfr, pos, eps_raw, tf, ac)

    noisy, eps = pl.pallas_call(
        functools.partial(_atom_kernel, g=g),
        grid=(nblk_a,),
        in_specs=[
            pl.BlockSpec((blk_a, 1), lambda i: (i, 0)),
            pl.BlockSpec((blk_a, 3), lambda i: (i, 0)),
            pl.BlockSpec((blk_a, 3), lambda i: (i, 0)),
            pl.BlockSpec((g, ATBL), lambda i: (0, 0)),
        ],
        out_specs=[
            pl.BlockSpec((blk_a, 3), lambda i: (i, 0)),
            pl.BlockSpec((blk_a, 3), lambda i: (i, 0)),
        ],
        out_shape=[
            jax.ShapeDtypeStruct((n, 3), jnp.float32),
            jax.ShapeDtypeStruct((n, 3), jnp.float32),
        ],
    )(bf, pos, eps_raw, aux)

    return (noisy, eps, cond, alpha, sigma, bits)

# --- scband reference (transcript-rebuilt; emitter-appended) ---
"""Pipeline reference for scband-forward-diffusion-module-34660386079319 (READ-ONLY COPY).

The authoritative reference and input builder live on the scoring server;
editing this copy changes nothing except your own understanding.
"""

import jax, jax.numpy as jnp
import numpy as np

N = 100000
G = 1024
T = 1000
EMB = 128
BITS = 8


def _center(x, batch):
    sums = jax.ops.segment_sum(x, batch, num_segments=G)
    counts = jax.ops.segment_sum(jnp.ones((x.shape[0],), x.dtype), batch, num_segments=G)
    mean = sums / jnp.maximum(counts, 1.0)[:, None]
    return x - mean[batch]


def _t_embed(t):
    half = EMB // 2
    freqs = jnp.exp(-jnp.log(10000.0) * jnp.arange(half, dtype=jnp.float32) / half)
    args = t.astype(jnp.float32) * freqs[None, :]
    return jnp.concatenate([jnp.sin(args), jnp.cos(args)], axis=-1)


def _scheduler(t):
    betas = jnp.linspace(1e-4, 0.02, T, dtype=jnp.float32)
    ac = jnp.cumprod(1.0 - betas)
    a = jnp.sqrt(ac[t[:, 0]])[:, None]
    s = jnp.sqrt(1.0 - ac[t[:, 0]])[:, None]
    return a, s


def setup_inputs(seed: int = 0):
    key = jax.random.key(seed)
    k1, k2, k3, k4 = jax.random.split(key, 4)
    pos = jax.random.normal(k1, (N, 3), dtype=jnp.float32)
    batch = jnp.sort(jax.random.randint(k2, (N,), 0, G))
    eps_raw = jax.random.normal(k3, (N, 3), dtype=jnp.float32)
    t = jax.random.randint(k4, (G, 1), 0, T)
    return {"pos": pos, "batch": batch, "eps_raw": eps_raw, "t": t}


def reference(pos, batch, eps_raw, t):
    # center positions per graph (histogram-style segment mean)
    x = _center(pos, batch)
    # per-graph atom counts -> binary encoding (histogram/bincount)
    counts = jnp.bincount(batch, length=G)
    bits = ((counts[:, None] >> jnp.arange(BITS)) & 1).astype(jnp.float32)
    # centered noise
    eps = _center(eps_raw, batch)
    # diffusion schedule at sampled timesteps
    alpha, sigma = _scheduler(t)
    # noised positions (gather alpha/sigma per atom)
    noisy = alpha[batch] * x + sigma[batch] * eps
    # sinusoidal time conditioning broadcast to atoms
    cond = _t_embed(t)[batch]
    return (noisy, eps, cond, alpha, sigma, bits)

if __name__ == "__main__":
    import jax
    _d = setup_inputs()
    print(jax.jit(kernel)(*tuple(_d.values())))

</pallas_src>

<mosaic_0001>
#map = affine_map<(d0, d1) -> (0)>
#map1 = affine_map<(d0, d1) -> (0, 0)>
module attributes {stable_mosaic.version = 14 : i64} {
  func.func @sc_gather(%arg0: i32, %arg1: i32, %arg2: memref<100000xi32, #tpu.memory_space<hbm>>, %arg3: memref<1024x128xf32, #tpu.memory_space<hbm>>, %arg4: memref<100000x128xf32, #tpu.memory_space<hbm>>, %arg5: memref<1024x128xf32, #tpu.memory_space<vmem_shared>>, %arg6: memref<3200xi32, #tpu.memory_space<vmem>>, %arg7: memref<128x128xf32, #tpu.memory_space<vmem>>, %arg8: memref<128x128xf32, #tpu.memory_space<vmem>>, %arg9: memref<!tpu.dma_semaphore, #tpu.memory_space<semaphore_mem>>, %arg10: memref<!tpu.dma_semaphore, #tpu.memory_space<semaphore_mem>>, %arg11: memref<!tpu.dma_semaphore, #tpu.memory_space<semaphore_mem>>, %arg12: memref<!tpu.dma_semaphore, #tpu.memory_space<semaphore_mem>>, %arg13: memref<32x128xf32, #tpu.memory_space<vmem>>, %arg14: memref<!tpu.dma_semaphore, #tpu.memory_space<semaphore_mem>>) attributes {dimension_semantics = [#tpu.dimension_semantics<core_parallel>, #tpu.dimension_semantics<subcore_parallel>], iteration_bounds = array<i64: 2, 16>, scalar_prefetch = 0 : i64, scratch_operands = 10 : i64, tpu.core_type = #tpu.core_type<sc_vector_subcore>, window_params = [{transform_indices = #map}, {transform_indices = #map1}, {transform_indices = #map1}]} {
    %mul3A = arith.constant 2 : i32
    %mul3A_0 = arith.muli %arg1, %mul3A : i32
    %add3A = arith.addi %mul3A_0, %arg0 : i32
    %eq3A = arith.constant 0 : i32
    %eq3A_1 = arith.cmpi eq, %arg1, %eq3A : i32
    %convert_element_type3A = arith.extui %eq3A_1 : i1 to i32
    %cond3A = arith.constant 0 : i32
    %cond3A_2 = arith.cmpi ne, %convert_element_type3A, %cond3A : i32
    scf.if %cond3A_2 {
      "tpu.region"() ({
        %run_scoped3A = tpu.sem_alloc : memref<!tpu.dma_semaphore, #tpu.memory_space<semaphore_mem>>
        tpu.enqueue_dma source(%arg3 : memref<1024x128xf32, #tpu.memory_space<hbm>>) target(%arg5 : memref<1024x128xf32, #tpu.memory_space<vmem_shared>>) target_semaphore(%run_scoped3A : memref<!tpu.dma_semaphore, #tpu.memory_space<semaphore_mem>>)
        tpu.wait_dma2 semaphore(%run_scoped3A : memref<!tpu.dma_semaphore, #tpu.memory_space<semaphore_mem>>) src(%arg3 : memref<1024x128xf32, #tpu.memory_space<hbm>>) dst(%arg5 : memref<1024x128xf32, #tpu.memory_space<vmem_shared>>)
        tpu.yield
      }) : () -> ()
    } else {
    }
    %barrier3A = arith.constant 0 : index
    tpu.barrier barrier_id(%barrier3A)
    %mul3A_3 = arith.constant 3200 : i32
    %mul3A_4 = arith.muli %add3A, %mul3A_3 : i32
    %mul3A_5 = arith.constant 25 : i32
    %mul3A_6 = arith.muli %add3A, %mul3A_5 : i32
    %sub3A = arith.constant 781 : i32
    %sub3A_7 = arith.subi %sub3A, %mul3A_6 : i32
    %jit3A = arith.constant 0 : i32
    %jit3A_8 = arith.constant 25 : i32
    %max3A = arith.maxsi %jit3A, %sub3A_7 : i32
    %min3A = arith.minsi %jit3A_8, %max3A : i32
    %lt3A = arith.constant 31 : i32
    %lt3A_9 = arith.cmpi slt, %add3A, %lt3A : i32
    %convert_element_type3A_10 = arith.extui %lt3A_9 : i1 to i32
    %cond3A_11 = arith.constant 0 : i32
    %cond3A_12 = arith.cmpi ne, %convert_element_type3A_10, %cond3A_11 : i32
    scf.if %cond3A_12 {
      "tpu.region"() ({
        %run_scoped3A = tpu.sem_alloc : memref<!tpu.dma_semaphore, #tpu.memory_space<semaphore_mem>>
        %dma_start3A = tpu.memref_slice %arg2[%mul3A_4] : memref<100000xi32, #tpu.memory_space<hbm>> -> memref<3200xi32, #tpu.memory_space<hbm>>
        %dma_start3A_37 = tpu.memref_slice %arg2[%mul3A_4] : memref<100000xi32, #tpu.memory_space<hbm>> -> memref<3200xi32, #tpu.memory_space<hbm>>
        tpu.enqueue_dma source(%dma_start3A_37 : memref<3200xi32, #tpu.memory_space<hbm>>) target(%arg6 : memref<3200xi32, #tpu.memory_space<vmem>>) target_semaphore(%run_scoped3A : memref<!tpu.dma_semaphore, #tpu.memory_space<semaphore_mem>>)
        %dma_wait3A = tpu.memref_slice %arg2[%mul3A_4] : memref<100000xi32, #tpu.memory_space<hbm>> -> memref<3200xi32, #tpu.memory_space<hbm>>
        %dma_wait3A_38 = tpu.memref_slice %arg2[%mul3A_4] : memref<100000xi32, #tpu.memory_space<hbm>> -> memref<3200xi32, #tpu.memory_space<hbm>>
        tpu.wait_dma2 semaphore(%run_scoped3A : memref<!tpu.dma_semaphore, #tpu.memory_space<semaphore_mem>>) src(%dma_wait3A_38 : memref<3200xi32, #tpu.memory_space<hbm>>) dst(%arg6 : memref<3200xi32, #tpu.memory_space<vmem>>)
        tpu.yield
      }) : () -> ()
    } else {
    }
    %eq3A_13 = arith.constant 31 : i32
    %eq3A_14 = arith.cmpi eq, %add3A, %eq3A_13 : i32
    %convert_element_type3A_15 = arith.extui %eq3A_14 : i1 to i32
    %cond3A_16 = arith.constant 0 : i32
    %cond3A_17 = arith.cmpi ne, %convert_element_type3A_15, %cond3A_16 : i32
    scf.if %cond3A_17 {
      "tpu.region"() ({
        %run_scoped3A = tpu.sem_alloc : memref<!tpu.dma_semaphore, #tpu.memory_space<semaphore_mem>>
        %dma_start3A = arith.constant 0 : i32
        %dma_start3A_37 = tpu.memref_slice %arg6[%dma_start3A] : memref<3200xi32, #tpu.memory_space<vmem>> -> memref<800xi32, #tpu.memory_space<vmem>>
        %dma_start3A_38 = tpu.memref_slice %arg2[%mul3A_4] : memref<100000xi32, #tpu.memory_space<hbm>> -> memref<800xi32, #tpu.memory_space<hbm>>
        %dma_start3A_39 = arith.constant 0 : i32
        %dma_start3A_40 = tpu.memref_slice %arg6[%dma_start3A_39] : memref<3200xi32, #tpu.memory_space<vmem>> -> memref<800xi32, #tpu.memory_space<vmem>>
        %dma_start3A_41 = tpu.memref_slice %arg2[%mul3A_4] : memref<100000xi32, #tpu.memory_space<hbm>> -> memref<800xi32, #tpu.memory_space<hbm>>
        tpu.enqueue_dma source(%dma_start3A_41 : memref<800xi32, #tpu.memory_space<hbm>>) target(%dma_start3A_40 : memref<800xi32, #tpu.memory_space<vmem>>) target_semaphore(%run_scoped3A : memref<!tpu.dma_semaphore, #tpu.memory_space<semaphore_mem>>)
        %dma_wait3A = arith.constant 0 : i32
        %dma_wait3A_42 = tpu.memref_slice %arg6[%dma_wait3A] : memref<3200xi32, #tpu.memory_space<vmem>> -> memref<800xi32, #tpu.memory_space<vmem>>
        %dma_wait3A_43 = tpu.memref_slice %arg2[%mul3A_4] : memref<100000xi32, #tpu.memory_space<hbm>> -> memref<800xi32, #tpu.memory_space<hbm>>
        %dma_wait3A_44 = arith.constant 0 : i32
        %dma_wait3A_45 = tpu.memref_slice %arg6[%dma_wait3A_44] : memref<3200xi32, #tpu.memory_space<vmem>> -> memref<800xi32, #tpu.memory_space<vmem>>
        %dma_wait3A_46 = tpu.memref_slice %arg2[%mul3A_4] : memref<100000xi32, #tpu.memory_space<hbm>> -> memref<800xi32, #tpu.memory_space<hbm>>
        tpu.wait_dma2 semaphore(%run_scoped3A : memref<!tpu.dma_semaphore, #tpu.memory_space<semaphore_mem>>) src(%dma_wait3A_46 : memref<800xi32, #tpu.memory_space<hbm>>) dst(%dma_wait3A_45 : memref<800xi32, #tpu.memory_space<vmem>>)
        tpu.yield
      }) : () -> ()
    } else {
    }
    %scan3A = arith.constant 0 : i32
    %scan3A_18 = arith.constant 0 : i32
    %scan3A_19 = arith.constant 13 : i32
    %scan3A_20 = arith.addi %scan3A_18, %scan3A_19 : i32
    %scan3A_21 = arith.constant 1 : i32
    scf.for %scan3A_37 = %scan3A_18 to %scan3A_20 step %scan3A_21  : i32 {
      %mul3A_38 = arith.constant 2 : i32
      %mul3A_39 = arith.muli %mul3A_38, %scan3A_37 : i32
      %add3A_40 = arith.constant 0 : i32
      %add3A_41 = arith.addi %mul3A_39, %add3A_40 : i32
      %lt3A_42 = arith.cmpi slt, %add3A_41, %min3A : i32
      %convert_element_type3A_43 = arith.extui %lt3A_42 : i1 to i32
      %cond3A_44 = arith.constant 0 : i32
      %cond3A_45 = arith.cmpi ne, %convert_element_type3A_43, %cond3A_44 : i32
      scf.if %cond3A_45 {
        %ge3A = arith.constant 2 : i32
        %ge3A_54 = arith.cmpi sge, %add3A_41, %ge3A : i32
        %convert_element_type3A_55 = arith.extui %ge3A_54 : i1 to i32
        %cond3A_56 = arith.constant 0 : i32
        %cond3A_57 = arith.cmpi ne, %convert_element_type3A_55, %cond3A_56 : i32
        scf.if %cond3A_57 {
          %sub3A_73 = arith.constant 2 : i32
          %sub3A_74 = arith.subi %add3A_41, %sub3A_73 : i32
          %mul3A_75 = arith.constant 128 : i32
          %mul3A_76 = arith.muli %sub3A_74, %mul3A_75 : i32
          %add3A_77 = arith.addi %mul3A_4, %mul3A_76 : i32
          %dma_wait3A_78 = arith.constant 0 : i32
          %dma_wait3A_79 = tpu.memref_slice %arg4[%add3A_77, %dma_wait3A_78] : memref<100000x128xf32, #tpu.memory_space<hbm>> -> memref<128x128xf32, #tpu.memory_space<hbm>>
          %dma_wait3A_80 = arith.constant 0 : i32
          %dma_wait3A_81 = tpu.memref_slice %arg4[%add3A_77, %dma_wait3A_80] : memref<100000x128xf32, #tpu.memory_space<hbm>> -> memref<128x128xf32, #tpu.memory_space<hbm>>
          tpu.wait_dma2 semaphore(%arg11 : memref<!tpu.dma_semaphore, #tpu.memory_space<semaphore_mem>>) src(%arg7 : memref<128x128xf32, #tpu.memory_space<vmem>>) dst(%dma_wait3A_81 : memref<128x128xf32, #tpu.memory_space<hbm>>)
        } else {
        }
        %mul3A_58 = arith.constant 128 : i32
        %mul3A_59 = arith.muli %add3A_41, %mul3A_58 : i32
        %dma_start3A = tpu.memref_slice %arg6[%mul3A_59] : memref<3200xi32, #tpu.memory_space<vmem>> -> memref<128xi32, #tpu.memory_space<vmem>>
        %dma_start3A_60 = arith.constant 0 : i32
        %dma_start3A_61 = arith.constant 0 : i32
        %dma_start3A_62 = tpu.memref_slice %arg5[%dma_start3A_60, %dma_start3A_61] : memref<1024x128xf32, #tpu.memory_space<vmem_shared>> -> memref<1024x128xf32, #tpu.memory_space<vmem_shared>>
        tpu.enqueue_indirect_dma source(%dma_start3A_62 : memref<1024x128xf32, #tpu.memory_space<vmem_shared>>) target(%arg7 : memref<128x128xf32, #tpu.memory_space<vmem>>) offsets(%dma_start3A : memref<128xi32, #tpu.memory_space<vmem>>) semaphore(%arg9 : memref<!tpu.dma_semaphore, #tpu.memory_space<semaphore_mem>>)
        %dma_wait3A = tpu.memref_slice %arg6[%mul3A_59] : memref<3200xi32, #tpu.memory_space<vmem>> -> memref<128xi32, #tpu.memory_space<vmem>>
        %dma_wait3A_63 = arith.constant 0 : i32
        %dma_wait3A_64 = arith.constant 0 : i32
        %dma_wait3A_65 = tpu.memref_slice %arg5[%dma_wait3A_63, %dma_wait3A_64] : memref<1024x128xf32, #tpu.memory_space<vmem_shared>> -> memref<1024x128xf32, #tpu.memory_space<vmem_shared>>
        tpu.wait_indirect_dma semaphore(%arg9 : memref<!tpu.dma_semaphore, #tpu.memory_space<semaphore_mem>>) src(%dma_wait3A_65 : memref<1024x128xf32, #tpu.memory_space<vmem_shared>>) dst(%arg7 : memref<128x128xf32, #tpu.memory_space<vmem>>)
        %mul3A_66 = arith.constant 128 : i32
        %mul3A_67 = arith.muli %add3A_41, %mul3A_66 : i32
        %add3A_68 = arith.addi %mul3A_4, %mul3A_67 : i32
        %dma_start3A_69 = arith.constant 0 : i32
        %dma_start3A_70 = tpu.memref_slice %arg4[%add3A_68, %dma_start3A_69] : memref<100000x128xf32, #tpu.memory_space<hbm>> -> memref<128x128xf32, #tpu.memory_space<hbm>>
        %dma_start3A_71 = arith.constant 0 : i32
        %dma_start3A_72 = tpu.memref_slice %arg4[%add3A_68, %dma_start3A_71] : memref<100000x128xf32, #tpu.memory_space<hbm>> -> memref<128x128xf32, #tpu.memory_space<hbm>>
        tpu.enqueue_dma source(%arg7 : memref<128x128xf32, #tpu.memory_space<vmem>>) target(%dma_start3A_72 : memref<128x128xf32, #tpu.memory_space<hbm>>) target_semaphore(%arg11 : memref<!tpu.dma_semaphore, #tpu.memory_space<semaphore_mem>>)
      } else {
      }
      %mul3A_46 = arith.constant 2 : i32
      %mul3A_47 = arith.muli %mul3A_46, %scan3A_37 : i32
      %add3A_48 = arith.constant 1 : i32
      %add3A_49 = arith.addi %mul3A_47, %add3A_48 : i32
      %lt3A_50 = arith.cmpi slt, %add3A_49, %min3A : i32
      %convert_element_type3A_51 = arith.extui %lt3A_50 : i1 to i32
      %cond3A_52 = arith.constant 0 : i32
      %cond3A_53 = arith.cmpi ne, %convert_element_type3A_51, %cond3A_52 : i32
      scf.if %cond3A_53 {
        %ge3A = arith.constant 2 : i32
        %ge3A_54 = arith.cmpi sge, %add3A_49, %ge3A : i32
        %convert_element_type3A_55 = arith.extui %ge3A_54 : i1 to i32
        %cond3A_56 = arith.constant 0 : i32
        %cond3A_57 = arith.cmpi ne, %convert_element_type3A_55, %cond3A_56 : i32
        scf.if %cond3A_57 {
          %sub3A_73 = arith.constant 2 : i32
          %sub3A_74 = arith.subi %add3A_49, %sub3A_73 : i32
          %mul3A_75 = arith.constant 128 : i32
          %mul3A_76 = arith.muli %sub3A_74, %mul3A_75 : i32
          %add3A_77 = arith.addi %mul3A_4, %mul3A_76 : i32
          %dma_wait3A_78 = arith.constant 0 : i32
          %dma_wait3A_79 = tpu.memref_slice %arg4[%add3A_77, %dma_wait3A_78] : memref<100000x128xf32, #tpu.memory_space<hbm>> -> memref<128x128xf32, #tpu.memory_space<hbm>>
          %dma_wait3A_80 = arith.constant 0 : i32
          %dma_wait3A_81 = tpu.memref_slice %arg4[%add3A_77, %dma_wait3A_80] : memref<100000x128xf32, #tpu.memory_space<hbm>> -> memref<128x128xf32, #tpu.memory_space<hbm>>
          tpu.wait_dma2 semaphore(%arg12 : memref<!tpu.dma_semaphore, #tpu.memory_space<semaphore_mem>>) src(%arg8 : memref<128x128xf32, #tpu.memory_space<vmem>>) dst(%dma_wait3A_81 : memref<128x128xf32, #tpu.memory_space<hbm>>)
        } else {
        }
        %mul3A_58 = arith.constant 128 : i32
        %mul3A_59 = arith.muli %add3A_49, %mul3A_58 : i32
        %dma_start3A = tpu.memref_slice %arg6[%mul3A_59] : memref<3200xi32, #tpu.memory_space<vmem>> -> memref<128xi32, #tpu.memory_space<vmem>>
        %dma_start3A_60 = arith.constant 0 : i32
        %dma_start3A_61 = arith.constant 0 : i32
        %dma_start3A_62 = tpu.memref_slice %arg5[%dma_start3A_60, %dma_start3A_61] : memref<1024x128xf32, #tpu.memory_space<vmem_shared>> -> memref<1024x128xf32, #tpu.memory_space<vmem_shared>>
        tpu.enqueue_indirect_dma source(%dma_start3A_62 : memref<1024x128xf32, #tpu.memory_space<vmem_shared>>) target(%arg8 : memref<128x128xf32, #tpu.memory_space<vmem>>) offsets(%dma_start3A : memref<128xi32, #tpu.memory_space<vmem>>) semaphore(%arg10 : memref<!tpu.dma_semaphore, #tpu.memory_space<semaphore_mem>>)
        %dma_wait3A = tpu.memref_slice %arg6[%mul3A_59] : memref<3200xi32, #tpu.memory_space<vmem>> -> memref<128xi32, #tpu.memory_space<vmem>>
        %dma_wait3A_63 = arith.constant 0 : i32
        %dma_wait3A_64 = arith.constant 0 : i32
        %dma_wait3A_65 = tpu.memref_slice %arg5[%dma_wait3A_63, %dma_wait3A_64] : memref<1024x128xf32, #tpu.memory_space<vmem_shared>> -> memref<1024x128xf32, #tpu.memory_space<vmem_shared>>
        tpu.wait_indirect_dma semaphore(%arg10 : memref<!tpu.dma_semaphore, #tpu.memory_space<semaphore_mem>>) src(%dma_wait3A_65 : memref<1024x128xf32, #tpu.memory_space<vmem_shared>>) dst(%arg8 : memref<128x128xf32, #tpu.memory_space<vmem>>)
        %mul3A_66 = arith.constant 128 : i32
        %mul3A_67 = arith.muli %add3A_49, %mul3A_66 : i32
        %add3A_68 = arith.addi %mul3A_4, %mul3A_67 : i32
        %dma_start3A_69 = arith.constant 0 : i32
        %dma_start3A_70 = tpu.memref_slice %arg4[%add3A_68, %dma_start3A_69] : memref<100000x128xf32, #tpu.memory_space<hbm>> -> memref<128x128xf32, #tpu.memory_space<hbm>>
        %dma_start3A_71 = arith.constant 0 : i32
        %dma_start3A_72 = tpu.memref_slice %arg4[%add3A_68, %dma_start3A_71] : memref<100000x128xf32, #tpu.memory_space<hbm>> -> memref<128x128xf32, #tpu.memory_space<hbm>>
        tpu.enqueue_dma source(%arg8 : memref<128x128xf32, #tpu.memory_space<vmem>>) target(%dma_start3A_72 : memref<128x128xf32, #tpu.memory_space<hbm>>) target_semaphore(%arg12 : memref<!tpu.dma_semaphore, #tpu.memory_space<semaphore_mem>>)
      } else {
      }
    }
    %scan3A_22 = arith.constant 13 : i32
    %gt3A = arith.constant 0 : i32
    %gt3A_23 = arith.cmpi sgt, %min3A, %gt3A : i32
    %convert_element_type3A_24 = arith.extui %gt3A_23 : i1 to i32
    %cond3A_25 = arith.constant 0 : i32
    %cond3A_26 = arith.cmpi ne, %convert_element_type3A_24, %cond3A_25 : i32
    scf.if %cond3A_26 {
      %sub3A_37 = arith.constant 1 : i32
      %sub3A_38 = arith.subi %min3A, %sub3A_37 : i32
      %sub3A_39 = arith.constant 0 : i32
      %sub3A_40 = arith.subi %sub3A_38, %sub3A_39 : i32
      %jit3A_41 = arith.constant 2 : i32
      %div3A = arith.divsi %sub3A_40, %jit3A_41 : i32
      %sign3A = arith.constant 0 : i32
      %sign3A_42 = arith.cmpi sgt, %sub3A_40, %sign3A : i32
      %sign3A_43 = arith.extui %sign3A_42 : i1 to i32
      %sign3A_44 = arith.constant 0 : i32
      %sign3A_45 = arith.cmpi slt, %sub3A_40, %sign3A_44 : i32
      %sign3A_46 = arith.extui %sign3A_45 : i1 to i32
      %sign3A_47 = arith.subi %sign3A_43, %sign3A_46 : i32
      %sign3A_48 = arith.constant 0 : i32
      %sign3A_49 = arith.cmpi sgt, %jit3A_41, %sign3A_48 : i32
      %sign3A_50 = arith.extui %sign3A_49 : i1 to i32
      %sign3A_51 = arith.constant 0 : i32
      %sign3A_52 = arith.cmpi slt, %jit3A_41, %sign3A_51 : i32
      %sign3A_53 = arith.extui %sign3A_52 : i1 to i32
      %sign3A_54 = arith.subi %sign3A_50, %sign3A_53 : i32
      %ne3A = arith.cmpi ne, %sign3A_47, %sign3A_54 : i32
      %rem3A = arith.remsi %sub3A_40, %jit3A_41 : i32
      %ne3A_55 = arith.constant 0 : i32
      %ne3A_56 = arith.cmpi ne, %rem3A, %ne3A_55 : i32
      %and3A = arith.andi %ne3A, %ne3A_56 : i1
      %sub3A_57 = arith.constant 1 : i32
      %sub3A_58 = arith.subi %div3A, %sub3A_57 : i32
      %select_n3A = arith.select %and3A, %sub3A_58, %div3A : i32
      %mul3A_59 = arith.constant 2 : i32
      %mul3A_60 = arith.muli %select_n3A, %mul3A_59 : i32
      %add3A_61 = arith.constant 0 : i32
      %add3A_62 = arith.addi %mul3A_60, %add3A_61 : i32
      %mul3A_63 = arith.constant 128 : i32
      %mul3A_64 = arith.muli %add3A_62, %mul3A_63 : i32
      %add3A_65 = arith.addi %mul3A_4, %mul3A_64 : i32
      %dma_wait3A = arith.constant 0 : i32
      %dma_wait3A_66 = tpu.memref_slice %arg4[%add3A_65, %dma_wait3A] : memref<100000x128xf32, #tpu.memory_space<hbm>> -> memref<128x128xf32, #tpu.memory_space<hbm>>
      %dma_wait3A_67 = arith.constant 0 : i32
      %dma_wait3A_68 = tpu.memref_slice %arg4[%add3A_65, %dma_wait3A_67] : memref<100000x128xf32, #tpu.memory_space<hbm>> -> memref<128x128xf32, #tpu.memory_space<hbm>>
      tpu.wait_dma2 semaphore(%arg11 : memref<!tpu.dma_semaphore, #tpu.memory_space<semaphore_mem>>) src(%arg7 : memref<128x128xf32, #tpu.memory_space<vmem>>) dst(%dma_wait3A_68 : memref<128x128xf32, #tpu.memory_space<hbm>>)
    } else {
    }
    %gt3A_27 = arith.constant 1 : i32
    %gt3A_28 = arith.cmpi sgt, %min3A, %gt3A_27 : i32
    %convert_element_type3A_29 = arith.extui %gt3A_28 : i1 to i32
    %cond3A_30 = arith.constant 0 : i32
    %cond3A_31 = arith.cmpi ne, %convert_element_type3A_29, %cond3A_30 : i32
    scf.if %cond3A_31 {
      %sub3A_37 = arith.constant 1 : i32
      %sub3A_38 = arith.subi %min3A, %sub3A_37 : i32
      %sub3A_39 = arith.constant 1 : i32
      %sub3A_40 = arith.subi %sub3A_38, %sub3A_39 : i32
      %jit3A_41 = arith.constant 2 : i32
      %div3A = arith.divsi %sub3A_40, %jit3A_41 : i32
      %sign3A = arith.constant 0 : i32
      %sign3A_42 = arith.cmpi sgt, %sub3A_40, %sign3A : i32
      %sign3A_43 = arith.extui %sign3A_42 : i1 to i32
      %sign3A_44 = arith.constant 0 : i32
      %sign3A_45 = arith.cmpi slt, %sub3A_40, %sign3A_44 : i32
      %sign3A_46 = arith.extui %sign3A_45 : i1 to i32
      %sign3A_47 = arith.subi %sign3A_43, %sign3A_46 : i32
      %sign3A_48 = arith.constant 0 : i32
      %sign3A_49 = arith.cmpi sgt, %jit3A_41, %sign3A_48 : i32
      %sign3A_50 = arith.extui %sign3A_49 : i1 to i32
      %sign3A_51 = arith.constant 0 : i32
      %sign3A_52 = arith.cmpi slt, %jit3A_41, %sign3A_51 : i32
      %sign3A_53 = arith.extui %sign3A_52 : i1 to i32
      %sign3A_54 = arith.subi %sign3A_50, %sign3A_53 : i32
      %ne3A = arith.cmpi ne, %sign3A_47, %sign3A_54 : i32
      %rem3A = arith.remsi %sub3A_40, %jit3A_41 : i32
      %ne3A_55 = arith.constant 0 : i32
      %ne3A_56 = arith.cmpi ne, %rem3A, %ne3A_55 : i32
      %and3A = arith.andi %ne3A, %ne3A_56 : i1
      %sub3A_57 = arith.constant 1 : i32
      %sub3A_58 = arith.subi %div3A, %sub3A_57 : i32
      %select_n3A = arith.select %and3A, %sub3A_58, %div3A : i32
      %mul3A_59 = arith.constant 2 : i32
      %mul3A_60 = arith.muli %select_n3A, %mul3A_59 : i32
      %add3A_61 = arith.constant 1 : i32
      %add3A_62 = arith.addi %mul3A_60, %add3A_61 : i32
      %mul3A_63 = arith.constant 128 : i32
      %mul3A_64 = arith.muli %add3A_62, %mul3A_63 : i32
      %add3A_65 = arith.addi %mul3A_4, %mul3A_64 : i32
      %dma_wait3A = arith.constant 0 : i32
      %dma_wait3A_66 = tpu.memref_slice %arg4[%add3A_65, %dma_wait3A] : memref<100000x128xf32, #tpu.memory_space<hbm>> -> memref<128x128xf32, #tpu.memory_space<hbm>>
      %dma_wait3A_67 = arith.constant 0 : i32
      %dma_wait3A_68 = tpu.memref_slice %arg4[%add3A_65, %dma_wait3A_67] : memref<100000x128xf32, #tpu.memory_space<hbm>> -> memref<128x128xf32, #tpu.memory_space<hbm>>
      tpu.wait_dma2 semaphore(%arg12 : memref<!tpu.dma_semaphore, #tpu.memory_space<semaphore_mem>>) src(%arg8 : memref<128x128xf32, #tpu.memory_space<vmem>>) dst(%dma_wait3A_68 : memref<128x128xf32, #tpu.memory_space<hbm>>)
    } else {
    }
    %eq3A_32 = arith.constant 31 : i32
    %eq3A_33 = arith.cmpi eq, %add3A, %eq3A_32 : i32
    %convert_element_type3A_34 = arith.extui %eq3A_33 : i1 to i32
    %cond3A_35 = arith.constant 0 : i32
    %cond3A_36 = arith.cmpi ne, %convert_element_type3A_34, %cond3A_35 : i32
    scf.if %cond3A_36 {
      %dma_start3A = arith.constant 768 : i32
      %dma_start3A_37 = tpu.memref_slice %arg6[%dma_start3A] : memref<3200xi32, #tpu.memory_space<vmem>> -> memref<32xi32, #tpu.memory_space<vmem>>
      %dma_start3A_38 = arith.constant 0 : i32
      %dma_start3A_39 = arith.constant 0 : i32
      %dma_start3A_40 = tpu.memref_slice %arg5[%dma_start3A_38, %dma_start3A_39] : memref<1024x128xf32, #tpu.memory_space<vmem_shared>> -> memref<1024x128xf32, #tpu.memory_space<vmem_shared>>
      tpu.enqueue_indirect_dma source(%dma_start3A_40 : memref<1024x128xf32, #tpu.memory_space<vmem_shared>>) target(%arg13 : memref<32x128xf32, #tpu.memory_space<vmem>>) offsets(%dma_start3A_37 : memref<32xi32, #tpu.memory_space<vmem>>) semaphore(%arg14 : memref<!tpu.dma_semaphore, #tpu.memory_space<semaphore_mem>>)
      %dma_wait3A = arith.constant 768 : i32
      %dma_wait3A_41 = tpu.memref_slice %arg6[%dma_wait3A] : memref<3200xi32, #tpu.memory_space<vmem>> -> memref<32xi32, #tpu.memory_space<vmem>>
      %dma_wait3A_42 = arith.constant 0 : i32
      %dma_wait3A_43 = arith.constant 0 : i32
      %dma_wait3A_44 = tpu.memref_slice %arg5[%dma_wait3A_42, %dma_wait3A_43] : memref<1024x128xf32, #tpu.memory_space<vmem_shared>> -> memref<1024x128xf32, #tpu.memory_space<vmem_shared>>
      tpu.wait_indirect_dma semaphore(%arg14 : memref<!tpu.dma_semaphore, #tpu.memory_space<semaphore_mem>>) src(%dma_wait3A_44 : memref<1024x128xf32, #tpu.memory_space<vmem_shared>>) dst(%arg13 : memref<32x128xf32, #tpu.memory_space<vmem>>)
      %dma_start3A_45 = arith.constant 99968 : i32
      %dma_start3A_46 = arith.constant 0 : i32
      %dma_start3A_47 = tpu.memref_slice %arg4[%dma_start3A_45, %dma_start3A_46] : memref<100000x128xf32, #tpu.memory_space<hbm>> -> memref<32x128xf32, #tpu.memory_space<hbm>>
      %dma_start3A_48 = arith.constant 99968 : i32
      %dma_start3A_49 = arith.constant 0 : i32
      %dma_start3A_50 = tpu.memref_slice %arg4[%dma_start3A_48, %dma_start3A_49] : memref<100000x128xf32, #tpu.memory_space<hbm>> -> memref<32x128xf32, #tpu.memory_space<hbm>>
      tpu.enqueue_dma source(%arg13 : memref<32x128xf32, #tpu.memory_space<vmem>>) target(%dma_start3A_50 : memref<32x128xf32, #tpu.memory_space<hbm>>) target_semaphore(%arg14 : memref<!tpu.dma_semaphore, #tpu.memory_space<semaphore_mem>>)
      %dma_wait3A_51 = arith.constant 99968 : i32
      %dma_wait3A_52 = arith.constant 0 : i32
      %dma_wait3A_53 = tpu.memref_slice %arg4[%dma_wait3A_51, %dma_wait3A_52] : memref<100000x128xf32, #tpu.memory_space<hbm>> -> memref<32x128xf32, #tpu.memory_space<hbm>>
      %dma_wait3A_54 = arith.constant 99968 : i32
      %dma_wait3A_55 = arith.constant 0 : i32
      %dma_wait3A_56 = tpu.memref_slice %arg4[%dma_wait3A_54, %dma_wait3A_55] : memref<100000x128xf32, #tpu.memory_space<hbm>> -> memref<32x128xf32, #tpu.memory_space<hbm>>
      tpu.wait_dma2 semaphore(%arg14 : memref<!tpu.dma_semaphore, #tpu.memory_space<semaphore_mem>>) src(%arg13 : memref<32x128xf32, #tpu.memory_space<vmem>>) dst(%dma_wait3A_56 : memref<32x128xf32, #tpu.memory_space<hbm>>)
    } else {
    }
    return
  }
}

module attributes {stable_mosaic.version = 14 : i64} {
  func.func @_condt_kernel(%arg0: memref<1024x1xf32, #tpu.memory_space<vmem>>, %arg1: memref<1024x128xf32, #tpu.memory_space<vmem>>) attributes {dimension_semantics = [], scalar_prefetch = 0 : i64, scratch_operands = 0 : i64, tpu.core_type = #tpu.core_type<tc>} {
    %get3A = arith.constant 0 : index
    %get3A_0 = arith.constant 0 : index
    %get3A_1 = vector.load %arg0[%get3A, %get3A_0] : memref<1024x1xf32, #tpu.memory_space<vmem>>, vector<1024x1xf32>
    %iota3A = tpu.iota {dimensions = array<i32: 1>} : vector<1x64xi32>
    %convert_element_type3A = arith.sitofp %iota3A : vector<1x64xi32> to vector<1x64xf32>
    %mul3A = arith.constant -0.14391157 : f32
    %mul3A_2 = vector.broadcast %mul3A : f32 to vector<1x64xf32>
    %mul3A_3 = arith.mulf %convert_element_type3A, %mul3A_2 : vector<1x64xf32>
    %exp3A = math.exp %mul3A_3 : vector<1x64xf32>
    %mul3A_4 = vector.broadcast %get3A_1 : vector<1024x1xf32> to vector<1024x64xf32>
    %mul3A_5 = vector.broadcast %exp3A : vector<1x64xf32> to vector<1024x64xf32>
    %mul3A_6 = arith.mulf %mul3A_4, %mul3A_5 : vector<1024x64xf32>
    %sin3A = math.sin %mul3A_6 : vector<1024x64xf32>
    %cos3A = math.cos %mul3A_6 : vector<1024x64xf32>
    %concatenate3A = tpu.concatenate %sin3A, %cos3A in 1 : vector<1024x64xf32>, vector<1024x64xf32> -> vector<1024x128xf32>
    %swap3A = arith.constant 0 : index
    %swap3A_7 = arith.constant 0 : index
    %swap3A_8 = vector.load %arg1[%swap3A, %swap3A_7] : memref<1024x128xf32, #tpu.memory_space<vmem>>, vector<1024x128xf32>
    tpu.vector_store %arg1[%swap3A, %swap3A_7], %concatenate3A {strides = array<i32>} : memref<1024x128xf32, #tpu.memory_space<vmem>>, vector<1024x128xf32>,
    return
  }
}

module attributes {stable_mosaic.version = 14 : i64} {
  func.func @_seg_kernel(%arg0: i32, %arg1: memref<1x1x5000xf32, #tpu.memory_space<vmem>>, %arg2: memref<5000x3xf32, #tpu.memory_space<vmem>>, %arg3: memref<5000x3xf32, #tpu.memory_space<vmem>>, %arg4: memref<1024x1xf32, #tpu.memory_space<vmem>>, %arg5: memref<1x1024xf32, #tpu.memory_space<vmem>>, %arg6: memref<1024x16xbf16, #tpu.memory_space<vmem>>, %arg7: memref<1024x1xf32, #tpu.memory_space<vmem>>, %arg8: memref<1024x1xf32, #tpu.memory_space<vmem>>, %arg9: memref<1024x8xf32, #tpu.memory_space<vmem>>, %arg10: memref<1024x8xf32, #tpu.memory_space<vmem>>) attributes {dimension_semantics = [#tpu.dimension_semantics<arbitrary>], iteration_bounds = array<i64: 20>, scalar_prefetch = 0 : i64, scratch_operands = 1 : i64, tpu.core_type = #tpu.core_type<tc>, window_params = [{transform_indices = @transform_0, window_bounds = array<i64: 1, 1, 5000>}, {transform_indices = @transform_1, window_bounds = array<i64: 5000, 3>}, {transform_indices = @transform_2, window_bounds = array<i64: 5000, 3>}, {pipeline_mode = #tpu.pipeline_mode<synchronous>, transform_indices = @transform_3, window_bounds = array<i64: 1024, 1>}, {pipeline_mode = #tpu.pipeline_mode<synchronous>, transform_indices = @transform_4, window_bounds = array<i64: 1, 1024>}, {pipeline_mode = #tpu.pipeline_mode<synchronous>, transform_indices = @transform_5, window_bounds = array<i64: 1024, 16>}, {pipeline_mode = #tpu.pipeline_mode<synchronous>, transform_indices = @transform_6, window_bounds = array<i64: 1024, 1>}, {pipeline_mode = #tpu.pipeline_mode<synchronous>, transform_indices = @transform_7, window_bounds = array<i64: 1024, 1>}, {pipeline_mode = #tpu.pipeline_mode<synchronous>, transform_indices = @transform_8, window_bounds = array<i64: 1024, 8>}]} {
    %eq3A = arith.constant 0 : i32
    %eq3A_0 = arith.cmpi eq, %arg0, %eq3A : i32
    %convert_element_type3A = arith.extui %eq3A_0 : i1 to i32
    %cond3A = arith.constant 0 : i32
    %cond3A_1 = arith.cmpi ne, %convert_element_type3A, %cond3A : i32
    scf.if %cond3A_1 {
      %broadcast_in_dim3A_34 = arith.constant 0.000000e+00 : f32
      %broadcast_in_dim3A_35 = vector.broadcast %broadcast_in_dim3A_34 : f32 to vector<1024x8xf32>
      %swap3A_36 = arith.constant 0 : index
      %swap3A_37 = arith.constant 0 : index
      %swap3A_38 = vector.load %arg10[%swap3A_36, %swap3A_37] : memref<1024x8xf32, #tpu.memory_space<vmem>>, vector<1024x8xf32>
      tpu.vector_store %arg10[%swap3A_36, %swap3A_37], %broadcast_in_dim3A_35 {strides = array<i32>} : memref<1024x8xf32, #tpu.memory_space<vmem>>, vector<1024x8xf32>,
    } else {
    }
    %get3A = arith.constant 0 : index
    %get3A_2 = arith.constant 0 : index
    %get3A_3 = arith.constant 0 : index
    %get3A_4 = vector.load %arg1[%get3A, %get3A_2, %get3A_3] : memref<1x1x5000xf32, #tpu.memory_space<vmem>>, vector<1x1x5000xf32>
    %get3A_5 = vector.shape_cast %get3A_4 : vector<1x1x5000xf32> to vector<1x5000xf32>
    %iota3A = tpu.iota {dimensions = array<i32: 0>} : vector<1024x1xi32>
    %convert_element_type3A_6 = arith.sitofp %iota3A : vector<1024x1xi32> to vector<1024x1xf32>
    %eq3A_7 = vector.broadcast %convert_element_type3A_6 : vector<1024x1xf32> to vector<1024x5000xf32>
    %eq3A_8 = vector.broadcast %get3A_5 : vector<1x5000xf32> to vector<1024x5000xf32>
    %eq3A_9 = arith.cmpf oeq, %eq3A_7, %eq3A_8 : vector<1024x5000xf32>
    %convert_element_type3A_10 = arith.extui %eq3A_9 : vector<1024x5000xi1> to vector<1024x5000xi32>
    %convert_element_type3A_11 = arith.sitofp %convert_element_type3A_10 : vector<1024x5000xi32> to vector<1024x5000xf32>
    %convert_element_type3A_12 = arith.truncf %convert_element_type3A_11 : vector<1024x5000xf32> to vector<1024x5000xbf16>
    %broadcast_in_dim3A = arith.constant 1.000000e+00 : f32
    %broadcast_in_dim3A_13 = vector.broadcast %broadcast_in_dim3A : f32 to vector<5000x1xf32>
    %broadcast_in_dim3A_14 = arith.constant 0.000000e+00 : f32
    %broadcast_in_dim3A_15 = vector.broadcast %broadcast_in_dim3A_14 : f32 to vector<5000x1xf32>
    %get3A_16 = arith.constant 0 : index
    %get3A_17 = arith.constant 0 : index
    %get3A_18 = vector.load %arg2[%get3A_16, %get3A_17] : memref<5000x3xf32, #tpu.memory_space<vmem>>, vector<5000x3xf32>
    %get3A_19 = arith.constant 0 : index
    %get3A_20 = arith.constant 0 : index
    %get3A_21 = vector.load %arg3[%get3A_19, %get3A_20] : memref<5000x3xf32, #tpu.memory_space<vmem>>, vector<5000x3xf32>
    %concatenate3A = tpu.concatenate %get3A_18, %get3A_21, %broadcast_in_dim3A_13, %broadcast_in_dim3A_15 in 1 : vector<5000x3xf32>, vector<5000x3xf32>, vector<5000x1xf32>, vector<5000x1xf32> -> vector<5000x8xf32>
    %convert_element_type3A_22 = arith.truncf %concatenate3A : vector<5000x8xf32> to vector<5000x8xbf16>
    %get3A_23 = arith.constant 0 : index
    %get3A_24 = arith.constant 0 : index
    %get3A_25 = vector.load %arg10[%get3A_23, %get3A_24] : memref<1024x8xf32, #tpu.memory_space<vmem>>, vector<1024x8xf32>
    %dot_general3A = arith.constant dense<0.000000e+00> : vector<1024x8xf32>
    %dot_general3A_26 = tpu.matmul %convert_element_type3A_12, %convert_element_type3A_22, %dot_general3A {dimension_numbers = #tpu.dot_dimension_numbers<[1], [0], [0], [1], [0, 0, 1, 1], [], []>, transpose_lhs_hint = false} : vector<1024x5000xbf16>, vector<5000x8xbf16>, vector<1024x8xf32> -> vector<1024x8xf32>
    %add3A = arith.addf %get3A_25, %dot_general3A_26 : vector<1024x8xf32>
    %swap3A = arith.constant 0 : index
    %swap3A_27 = arith.constant 0 : index
    %swap3A_28 = vector.load %arg10[%swap3A, %swap3A_27] : memref<1024x8xf32, #tpu.memory_space<vmem>>, vector<1024x8xf32>
    tpu.vector_store %arg10[%swap3A, %swap3A_27], %add3A {strides = array<i32>} : memref<1024x8xf32, #tpu.memory_space<vmem>>, vector<1024x8xf32>,
    %eq3A_29 = arith.constant 19 : i32
    %eq3A_30 = arith.cmpi eq, %arg0, %eq3A_29 : i32
    %convert_element_type3A_31 = arith.extui %eq3A_30 : i1 to i32
    %cond3A_32 = arith.constant 0 : i32
    %cond3A_33 = arith.cmpi ne, %convert_element_type3A_31, %cond3A_32 : i32
    scf.if %cond3A_33 {
      %get3A_34 = arith.constant 0 : index
      %get3A_35 = arith.constant 0 : index
      %get3A_36 = vector.load %arg10[%get3A_34, %get3A_35] : memref<1024x8xf32, #tpu.memory_space<vmem>>, vector<1024x8xf32>
      %slice3A = vector.extract_strided_slice %get3A_36 {offsets = [0, 6], sizes = [1024, 1], strides = [1, 1]} : vector<1024x8xf32> to vector<1024x1xf32>
      %max3A = arith.constant 1.000000e+00 : f32
      %max3A_37 = vector.broadcast %max3A : f32 to vector<1024x1xf32>
      %max3A_38 = arith.maximumf %slice3A, %max3A_37 : vector<1024x1xf32>
      %slice3A_39 = vector.extract_strided_slice %get3A_36 {offsets = [0, 0], sizes = [1024, 6], strides = [1, 1]} : vector<1024x8xf32> to vector<1024x6xf32>
      %div3A = vector.broadcast %max3A_38 : vector<1024x1xf32> to vector<1024x6xf32>
      %div3A_40 = arith.divf %slice3A_39, %div3A : vector<1024x6xf32>
      %get3A_41 = arith.constant 0 : index
      %get3A_42 = arith.constant 0 : index
      %get3A_43 = vector.load %arg4[%get3A_41, %get3A_42] : memref<1024x1xf32, #tpu.memory_space<vmem>>, vector<1024x1xf32>
      %iota3A_44 = tpu.iota {dimensions = array<i32: 1>} : vector<1x1024xi32>
      %convert_element_type3A_45 = arith.sitofp %iota3A_44 : vector<1x1024xi32> to vector<1x1024xf32>
      %eq3A_46 = vector.broadcast %get3A_43 : vector<1024x1xf32> to vector<1024x1024xf32>
      %eq3A_47 = vector.broadcast %convert_element_type3A_45 : vector<1x1024xf32> to vector<1024x1024xf32>
      %eq3A_48 = arith.cmpf oeq, %eq3A_46, %eq3A_47 : vector<1024x1024xf32>
      %convert_element_type3A_49 = arith.extui %eq3A_48 : vector<1024x1024xi1> to vector<1024x1024xi32>
      %convert_element_type3A_50 = arith.sitofp %convert_element_type3A_49 : vector<1024x1024xi32> to vector<1024x1024xf32>
      %get3A_51 = arith.constant 0 : index
      %get3A_52 = arith.constant 0 : index
      %get3A_53 = vector.load %arg5[%get3A_51, %get3A_52] : memref<1x1024xf32, #tpu.memory_space<vmem>>, vector<1x1024xf32>
      %dot_general3A_54 = arith.constant dense<0.000000e+00> : vector<1024x1xf32>
      %dot_general3A_55 = tpu.matmul %convert_element_type3A_50, %get3A_53, %dot_general3A_54 {dimension_numbers = #tpu.dot_dimension_numbers<[1], [1], [0], [0], [0, 0, 1, 0], [], []>, transpose_lhs_hint = false} : vector<1024x1024xf32>, vector<1x1024xf32>, vector<1024x1xf32> -> vector<1024x1xf32>
      %sqrt3A = math.sqrt %dot_general3A_55 : vector<1024x1xf32>
      %sub3A = arith.constant 1.000000e+00 : f32
      %sub3A_56 = vector.broadcast %sub3A : f32 to vector<1024x1xf32>
      %sub3A_57 = arith.subf %sub3A_56, %dot_general3A_55 : vector<1024x1xf32>
      %sqrt3A_58 = math.sqrt %sub3A_57 : vector<1024x1xf32>
      %swap3A_59 = arith.constant 0 : index
      %swap3A_60 = arith.constant 0 : index
      %swap3A_61 = vector.load %arg7[%swap3A_59, %swap3A_60] : memref<1024x1xf32, #tpu.memory_space<vmem>>, vector<1024x1xf32>
      tpu.vector_store %arg7[%swap3A_59, %swap3A_60], %sqrt3A {strides = array<i32>} : memref<1024x1xf32, #tpu.memory_space<vmem>>, vector<1024x1xf32>,
      %swap3A_62 = arith.constant 0 : index
      %swap3A_63 = arith.constant 0 : index
      %swap3A_64 = vector.load %arg8[%swap3A_62, %swap3A_63] : memref<1024x1xf32, #tpu.memory_space<vmem>>, vector<1024x1xf32>
      tpu.vector_store %arg8[%swap3A_62, %swap3A_63], %sqrt3A_58 {strides = array<i32>} : memref<1024x1xf32, #tpu.memory_space<vmem>>, vector<1024x1xf32>,
      %convert_element_type3A_65 = arith.fptosi %slice3A : vector<1024x1xf32> to vector<1024x1xi32>
      %iota3A_66 = tpu.iota {dimensions = array<i32: 1>} : vector<1x8xi32>
      %shift_right_arithmetic3A = vector.broadcast %convert_element_type3A_65 : vector<1024x1xi32> to vector<1024x8xi32>
      %shift_right_arithmetic3A_67 = vector.broadcast %iota3A_66 : vector<1x8xi32> to vector<1024x8xi32>
      %shift_right_arithmetic3A_68 = arith.shrsi %shift_right_arithmetic3A, %shift_right_arithmetic3A_67 : vector<1024x8xi32>
      %and3A = arith.constant 1 : i32
      %and3A_69 = vector.broadcast %and3A : i32 to vector<1024x8xi32>
      %and3A_70 = arith.andi %shift_right_arithmetic3A_68, %and3A_69 : vector<1024x8xi32>
      %convert_element_type3A_71 = arith.sitofp %and3A_70 : vector<1024x8xi32> to vector<1024x8xf32>
      %swap3A_72 = arith.constant 0 : index
      %swap3A_73 = arith.constant 0 : index
      %swap3A_74 = vector.load %arg9[%swap3A_72, %swap3A_73] : memref<1024x8xf32, #tpu.memory_space<vmem>>, vector<1024x8xf32>
      tpu.vector_store %arg9[%swap3A_72, %swap3A_73], %convert_element_type3A_71 {strides = array<i32>} : memref<1024x8xf32, #tpu.memory_space<vmem>>, vector<1024x8xf32>,
      %broadcast_in_dim3A_75 = arith.constant 0.000000e+00 : f32
      %broadcast_in_dim3A_76 = vector.broadcast %broadcast_in_dim3A_75 : f32 to vector<1024x8xf32>
      %concatenate3A_77 = tpu.concatenate %div3A_40, %sqrt3A, %sqrt3A_58, %broadcast_in_dim3A_76 in 1 : vector<1024x6xf32>, vector<1024x1xf32>, vector<1024x1xf32>, vector<1024x8xf32> -> vector<1024x16xf32>
      %convert_element_type3A_78 = arith.truncf %concatenate3A_77 : vector<1024x16xf32> to vector<1024x16xbf16>
      %swap3A_79 = arith.constant 0 : index
      %swap3A_80 = arith.constant 0 : index
      %swap3A_81 = vector.load %arg6[%swap3A_79, %swap3A_80] : memref<1024x16xbf16, #tpu.memory_space<vmem>>, vector<1024x16xbf16>
      tpu.vector_store %arg6[%swap3A_79, %swap3A_80], %convert_element_type3A_78 {strides = array<i32>} : memref<1024x16xbf16, #tpu.memory_space<vmem>>, vector<1024x16xbf16>,
    } else {
    }
    return
  }
  func.func @transform_0(%arg0: i32) -> (i32, i32, i32) {
    %c0_i32 = arith.constant 0 : i32
    %c0_i32_0 = arith.constant 0 : i32
    %c0_i32_1 = arith.constant 0 : i32
    return %arg0, %c0_i32, %c0_i32_0 : i32, i32, i32
  }
  func.func @transform_1(%arg0: i32) -> (i32, i32) {
    %c0_i32 = arith.constant 0 : i32
    %c0_i32_0 = arith.constant 0 : i32
    return %arg0, %c0_i32 : i32, i32
  }
  func.func @transform_2(%arg0: i32) -> (i32, i32) {
    %c0_i32 = arith.constant 0 : i32
    %c0_i32_0 = arith.constant 0 : i32
    return %arg0, %c0_i32 : i32, i32
  }
  func.func @transform_3(%arg0: i32) -> (i32, i32) {
    %c0_i32 = arith.constant 0 : i32
    %c0_i32_0 = arith.constant 0 : i32
    %c0_i32_1 = arith.constant 0 : i32
    return %c0_i32, %c0_i32_0 : i32, i32
  }
  func.func @transform_4(%arg0: i32) -> (i32, i32) {
    %c0_i32 = arith.constant 0 : i32
    %c0_i32_0 = arith.constant 0 : i32
    %c0_i32_1 = arith.constant 0 : i32
    return %c0_i32, %c0_i32_0 : i32, i32
  }
  func.func @transform_5(%arg0: i32) -> (i32, i32) {
    %c0_i32 = arith.constant 0 : i32
    %c0_i32_0 = arith.constant 0 : i32
    %c0_i32_1 = arith.constant 0 : i32
    return %c0_i32, %c0_i32_0 : i32, i32
  }
  func.func @transform_6(%arg0: i32) -> (i32, i32) {
    %c0_i32 = arith.constant 0 : i32
    %c0_i32_0 = arith.constant 0 : i32
    %c0_i32_1 = arith.constant 0 : i32
    return %c0_i32, %c0_i32_0 : i32, i32
  }
  func.func @transform_7(%arg0: i32) -> (i32, i32) {
    %c0_i32 = arith.constant 0 : i32
    %c0_i32_0 = arith.constant 0 : i32
    %c0_i32_1 = arith.constant 0 : i32
    return %c0_i32, %c0_i32_0 : i32, i32
  }
  func.func @transform_8(%arg0: i32) -> (i32, i32) {
    %c0_i32 = arith.constant 0 : i32
    %c0_i32_0 = arith.constant 0 : i32
    %c0_i32_1 = arith.constant 0 : i32
    return %c0_i32, %c0_i32_0 : i32, i32
  }
}

module attributes {stable_mosaic.version = 14 : i64} {
  func.func @_atom_kernel(%arg0: i32, %arg1: memref<5000x1xf32, #tpu.memory_space<vmem>>, %arg2: memref<5000x3xf32, #tpu.memory_space<vmem>>, %arg3: memref<5000x3xf32, #tpu.memory_space<vmem>>, %arg4: memref<1024x16xbf16, #tpu.memory_space<vmem>>, %arg5: memref<5000x3xf32, #tpu.memory_space<vmem>>, %arg6: memref<5000x3xf32, #tpu.memory_space<vmem>>) attributes {dimension_semantics = [#tpu.dimension_semantics<arbitrary>], iteration_bounds = array<i64: 20>, scalar_prefetch = 0 : i64, scratch_operands = 0 : i64, tpu.core_type = #tpu.core_type<tc>, window_params = [{transform_indices = @transform_0, window_bounds = array<i64: 5000, 1>}, {transform_indices = @transform_1, window_bounds = array<i64: 5000, 3>}, {transform_indices = @transform_2, window_bounds = array<i64: 5000, 3>}, {pipeline_mode = #tpu.pipeline_mode<synchronous>, transform_indices = @transform_3, window_bounds = array<i64: 1024, 16>}, {transform_indices = @transform_4, window_bounds = array<i64: 5000, 3>}, {transform_indices = @transform_5, window_bounds = array<i64: 5000, 3>}]} {
    %get3A = arith.constant 0 : index
    %get3A_0 = arith.constant 0 : index
    %get3A_1 = vector.load %arg1[%get3A, %get3A_0] : memref<5000x1xf32, #tpu.memory_space<vmem>>, vector<5000x1xf32>
    %iota3A = tpu.iota {dimensions = array<i32: 1>} : vector<1x1024xi32>
    %convert_element_type3A = arith.sitofp %iota3A : vector<1x1024xi32> to vector<1x1024xf32>
    %eq3A = vector.broadcast %get3A_1 : vector<5000x1xf32> to vector<5000x1024xf32>
    %eq3A_2 = vector.broadcast %convert_element_type3A : vector<1x1024xf32> to vector<5000x1024xf32>
    %eq3A_3 = arith.cmpf oeq, %eq3A, %eq3A_2 : vector<5000x1024xf32>
    %convert_element_type3A_4 = arith.extui %eq3A_3 : vector<5000x1024xi1> to vector<5000x1024xi32>
    %convert_element_type3A_5 = arith.sitofp %convert_element_type3A_4 : vector<5000x1024xi32> to vector<5000x1024xf32>
    %convert_element_type3A_6 = arith.truncf %convert_element_type3A_5 : vector<5000x1024xf32> to vector<5000x1024xbf16>
    %get3A_7 = arith.constant 0 : index
    %get3A_8 = arith.constant 0 : index
    %get3A_9 = vector.load %arg4[%get3A_7, %get3A_8] : memref<1024x16xbf16, #tpu.memory_space<vmem>>, vector<1024x16xbf16>
    %dot_general3A = arith.constant dense<0.000000e+00> : vector<5000x16xf32>
    %dot_general3A_10 = tpu.matmul %convert_element_type3A_6, %get3A_9, %dot_general3A {dimension_numbers = #tpu.dot_dimension_numbers<[1], [0], [0], [1], [0, 0, 1, 1], [], []>, transpose_lhs_hint = false} : vector<5000x1024xbf16>, vector<1024x16xbf16>, vector<5000x16xf32> -> vector<5000x16xf32>
    %slice3A = vector.extract_strided_slice %dot_general3A_10 {offsets = [0, 0], sizes = [5000, 3], strides = [1, 1]} : vector<5000x16xf32> to vector<5000x3xf32>
    %slice3A_11 = vector.extract_strided_slice %dot_general3A_10 {offsets = [0, 3], sizes = [5000, 3], strides = [1, 1]} : vector<5000x16xf32> to vector<5000x3xf32>
    %slice3A_12 = vector.extract_strided_slice %dot_general3A_10 {offsets = [0, 6], sizes = [5000, 1], strides = [1, 1]} : vector<5000x16xf32> to vector<5000x1xf32>
    %slice3A_13 = vector.extract_strided_slice %dot_general3A_10 {offsets = [0, 7], sizes = [5000, 1], strides = [1, 1]} : vector<5000x16xf32> to vector<5000x1xf32>
    %get3A_14 = arith.constant 0 : index
    %get3A_15 = arith.constant 0 : index
    %get3A_16 = vector.load %arg2[%get3A_14, %get3A_15] : memref<5000x3xf32, #tpu.memory_space<vmem>>, vector<5000x3xf32>
    %sub3A = arith.subf %get3A_16, %slice3A : vector<5000x3xf32>
    %get3A_17 = arith.constant 0 : index
    %get3A_18 = arith.constant 0 : index
    %get3A_19 = vector.load %arg3[%get3A_17, %get3A_18] : memref<5000x3xf32, #tpu.memory_space<vmem>>, vector<5000x3xf32>
    %sub3A_20 = arith.subf %get3A_19, %slice3A_11 : vector<5000x3xf32>
    %swap3A = arith.constant 0 : index
    %swap3A_21 = arith.constant 0 : index
    %swap3A_22 = vector.load %arg6[%swap3A, %swap3A_21] : memref<5000x3xf32, #tpu.memory_space<vmem>>, vector<5000x3xf32>
    tpu.vector_store %arg6[%swap3A, %swap3A_21], %sub3A_20 {strides = array<i32>} : memref<5000x3xf32, #tpu.memory_space<vmem>>, vector<5000x3xf32>,
    %mul3A = vector.broadcast %slice3A_12 : vector<5000x1xf32> to vector<5000x3xf32>
    %mul3A_23 = arith.mulf %mul3A, %sub3A : vector<5000x3xf32>
    %mul3A_24 = vector.broadcast %slice3A_13 : vector<5000x1xf32> to vector<5000x3xf32>
    %mul3A_25 = arith.mulf %mul3A_24, %sub3A_20 : vector<5000x3xf32>
    %add3A = arith.addf %mul3A_23, %mul3A_25 : vector<5000x3xf32>
    %swap3A_26 = arith.constant 0 : index
    %swap3A_27 = arith.constant 0 : index
    %swap3A_28 = vector.load %arg5[%swap3A_26, %swap3A_27] : memref<5000x3xf32, #tpu.memory_space<vmem>>, vector<5000x3xf32>
    tpu.vector_store %arg5[%swap3A_26, %swap3A_27], %add3A {strides = array<i32>} : memref<5000x3xf32, #tpu.memory_space<vmem>>, vector<5000x3xf32>,
    return
  }
  func.func @transform_0(%arg0: i32) -> (i32, i32) {
    %c0_i32 = arith.constant 0 : i32
    %c0_i32_0 = arith.constant 0 : i32
    return %arg0, %c0_i32 : i32, i32
  }
  func.func @transform_1(%arg0: i32) -> (i32, i32) {
    %c0_i32 = arith.constant 0 : i32
    %c0_i32_0 = arith.constant 0 : i32
    return %arg0, %c0_i32 : i32, i32
  }
  func.func @transform_2(%arg0: i32) -> (i32, i32) {
    %c0_i32 = arith.constant 0 : i32
    %c0_i32_0 = arith.constant 0 : i32
    return %arg0, %c0_i32 : i32, i32
  }
  func.func @transform_3(%arg0: i32) -> (i32, i32) {
    %c0_i32 = arith.constant 0 : i32
    %c0_i32_0 = arith.constant 0 : i32
    %c0_i32_1 = arith.constant 0 : i32
    return %c0_i32, %c0_i32_0 : i32, i32
  }
  func.func @transform_4(%arg0: i32) -> (i32, i32) {
    %c0_i32 = arith.constant 0 : i32
    %c0_i32_0 = arith.constant 0 : i32
    return %arg0, %c0_i32 : i32, i32
  }
  func.func @transform_5(%arg0: i32) -> (i32, i32) {
    %c0_i32 = arith.constant 0 : i32
    %c0_i32_0 = arith.constant 0 : i32
    return %arg0, %c0_i32 : i32, i32
  }
}

</mosaic_0001>

<sc_bundles>
// kernel: kernel.6.cloned.1.call-start
scs
__scs_entry_jumppad:
0x0: {  	(pc) =	sbr.rel $0x88, $3  }
0x1: {  	(tag) =	ssettag $0x0;
	lr =	simm.s32 $0x1  }
0x2: {  	[smem:$0x3F9D] =	sst lr;
	_ =	strace $0xD0000000  }
0x3: {  	_ = 	snop  }
0x4: {  	_ = 	snop  }
0x5: {  	_ = 	snop  }
0x6: {  	_ = 	snop  }
0x7: {  	_ = 	snop  }
__scs_overlays_trampoline_lowered:
0x8: {  	[smem:$0x3FAC] =	sst s0  }
0x9: {  	[smem:$0x3FAD] =	sst s1  }
0xa: {  	[smem:$0x3FAE] =	sst s2  }
0xb: {  	[smem:$0x3FAF] =	sst s3  }
0xc: {  	[smem:$0x3FB0] =	sst s4  }
0xd: {  	[smem:$0x3FB1] =	sst s5  }
0xe: {  	[smem:$0x3FB2] =	sst s6  }
0xf: {  	[smem:$0x3FB3] =	sst s7  }
0x10: {  	[smem:$0x3FB4] =	sst s8  }
0x11: {  	[smem:$0x3FB5] =	sst s9;
	s0 =	simm.s32 @!p0 $0x0  }
0x12: {  	s1 =	sld [smem:$0x3F9B];
	s0 =	simm.s32 @p0 $0x1  }
0x13: {  	[smem:$0x3FB6] =	sst s0;
	s0 =	simm.s32 @!p1 $0x0  }
0x14: {  	s2 =	sld [smem:$0x3F9A];
	s0 =	simm.s32 @p1 $0x1  }
0x15: {  	[smem:$0x3FB7] =	sst s0;
	s0 =	simm.s32 @!p2 $0x0  }
0x16: {  	s3 =	sld [smem:$0x3FDB];
	s0 =	simm.s32 @p2 $0x1  }
0x17: {  	s4 =	simm.s32 $0x1BF5;
	[smem:$0x3FB9] =	sst s0  }
0x18: {  	s0 =	sld [smem:$0x3F9C];
	_ =	swait.ge [sflag:s4], $0x0  }
0x19: {  	s7 =	sld [smem:$0x3F9D]  }
0x1a: {  	s8 =	sadd.s32 $0xFFFFE003, lr  }
0x1b: {  	s9 =	sadd.s32 $0xFFFFFEF7, lr;
	s5 =	simm.s32 $0xFFFFFFFF;
	p2 =	slt.u32 s8, $0xFFFFF086  }
0x1c: {  	p1 =	slt.u32 s9, $0xF7A;
	s5 =	simm.s32 @!p2 $0x0  }
0x1d: {  	s5 =	simm.s32 @p1 $0x1;
	p0 =	seq.s32 s7, s2  }
0x1e: {  	s7 =	smul.u32 @!p0 $0xF7A, s2;
	p2 =	seq.s32 @!p0 s5, $0x0  }
0x1f: {  	s9 =	smul.u32 $0xF7A, s1;
	s8 =	simm.s32 @!p0 $0x1BF5;
	p2 =	por !p2, p0  }
0x20: {  	[sflag:s8] =	ssyncset.s32 @!p0 $0xFFFFF086;
	s6 =	sadd.s32 @!p0 s3, s7;
	s7 =	simm.s32 @!p0 $0x108  }
0x21: {  	s3 =	sadd.s32 s3, s9;
	s6 =	sadd.s32 @!p0 $0x88, s6;
	s7 =	simm.s32 @p2 $0x1082  }
0x22: {  	[simem:s7], [sflag:s8] =	dma.local @!p0 [hbm:s6], $0xF7A  }
0x23: {  	s9 =	sor.u32 $0xD0000000, s2;
	s6 =	simm.s32 $0x108;
	_ =	swait.ge @!p0 [sflag:s8], $0x0  }
0x24: {  	s3 =	sadd.s32 $0x88, s3;
	s6 =	simm.s32 @!p1 $0x1082;
	[sflag:s4] =	ssyncset.s32 $0xFFFFF086  }
0x25: {  	[simem:s6], [sflag:s4] =	dma.local [hbm:s3], $0xF7A  }
0x26: {  	[smem:$0x3F9D] =	sst s1;
	(tag) =	ssettag s2;
	_ =	strace s9  }
0x27: {  	s1 =	sld [smem:$0x3FAD]  }
0x28: {  	s2 =	sld [smem:$0x3FAE]  }
0x29: {  	s4 =	sld [smem:$0x3FB0]  }
0x2a: {  	p0 =	seq.s32 s5, $0x0;
	s5 =	sld [smem:$0x3FB1]  }
0x2b: {  	s6 =	sld [smem:$0x3FB2]  }
0x2c: {  	s7 =	sld [smem:$0x3FB3]  }
0x2d: {  	s3 =	simm.s32 $0x108;
	s8 =	sld [smem:$0x3FB4]  }
0x2e: {  	s3 =	simm.s32 @!p0 $0x1082;
	s9 =	sld [smem:$0x3FB5]  }
0x2f: {  	lr =	sadd.s32 s0, s3;
	s0 =	sld [smem:$0x3FAC]  }
0x30: {  	s3 =	sld [smem:$0x3FAF]  }
0x31: {  	[smem:$0x3FB8] =	sst s10  }
0x32: {  	s10 =	sld [smem:$0x3FB6];
	_ =	sdelay $0x3  }
0x33: {  	p0 =	seq.s32 s10, $0x1;
	s10 =	sld [smem:$0x3FB8];
	_ =	sdelay $0x3  }
0x34: {  	[smem:$0x3FB8] =	sst s10  }
0x35: {  	s10 =	sld [smem:$0x3FB7];
	_ =	sdelay $0x3  }
0x36: {  	p1 =	seq.s32 s10, $0x1;
	s10 =	sld [smem:$0x3FB8];
	_ =	sdelay $0x3  }
0x37: {  	[smem:$0x3FB8] =	sst s10  }
0x38: {  	s10 =	sld [smem:$0x3FB9]  }
0x39: {  	_ = 	snop;
	(pc) =	sbr.ind lr, $3  }
0x3a: {  	_ = 	snop  }
0x3b: {  	_ = 	snop  }
0x3c: {  	p2 =	seq.s32 s10, $0x1;
	s10 =	sld [smem:$0x3FB8]  }
0x3d: {  	_ =	shalt  }
0x3e: {  	_ =	shalt  }
0x3f: {  	_ =	shalt  }
0x40: {  	_ =	shalt  }
0x41: {  	_ =	shalt  }
0x42: {  	_ =	shalt  }
0x43: {  	_ =	shalt  }
0x44: {  	_ =	shalt  }
0x45: {  	_ =	shalt  }
0x46: {  	_ =	shalt  }
0x47: {  	_ =	shalt  }
0x48: {  	_ =	shalt  }
0x49: {  	_ =	shalt  }
0x4a: {  	_ =	shalt  }
0x4b: {  	_ =	shalt  }
0x4c: {  	_ =	shalt  }
0x4d: {  	_ =	shalt  }
0x4e: {  	_ =	shalt  }
0x4f: {  	_ =	shalt  }
0x50: {  	_ =	shalt  }
0x51: {  	_ =	shalt  }
0x52: {  	_ =	shalt  }
0x53: {  	_ =	shalt  }
0x54: {  	_ =	shalt  }
0x55: {  	_ =	shalt  }
0x56: {  	_ =	shalt  }
0x57: {  	_ =	shalt  }
0x58: {  	_ =	shalt  }
0x59: {  	_ =	shalt  }
0x5a: {  	_ =	shalt  }
0x5b: {  	_ =	shalt  }
0x5c: {  	_ =	shalt  }
0x5d: {  	_ =	shalt  }
0x5e: {  	_ =	shalt  }
0x5f: {  	_ =	shalt  }
0x60: {  	_ =	shalt  }
0x61: {  	_ =	shalt  }
0x62: {  	_ =	shalt  }
0x63: {  	_ =	shalt  }
0x64: {  	_ =	shalt  }
0x65: {  	_ =	shalt  }
0x66: {  	_ =	shalt  }
0x67: {  	_ =	shalt  }
0x68: {  	_ =	shalt  }
0x69: {  	_ =	shalt  }
0x6a: {  	_ =	shalt  }
0x6b: {  	_ =	shalt  }
0x6c: {  	_ =	shalt  }
0x6d: {  	_ =	shalt  }
0x6e: {  	_ =	shalt  }
0x6f: {  	_ =	shalt  }
0x70: {  	_ =	shalt  }
0x71: {  	_ =	shalt  }
0x72: {  	_ =	shalt  }
0x73: {  	_ =	shalt  }
0x74: {  	_ =	shalt  }
0x75: {  	_ =	shalt  }
0x76: {  	_ =	shalt  }
0x77: {  	_ =	shalt  }
0x78: {  	_ =	shalt  }
0x79: {  	_ =	shalt  }
0x7a: {  	_ =	shalt  }
0x7b: {  	_ =	shalt  }
0x7c: {  	_ =	shalt  }
0x7d: {  	_ =	shalt  }
0x7e: {  	_ =	shalt  }
0x7f: {  	_ =	shalt  }
0x80: {  	_ =	shalt  }
0x81: {  	_ =	shalt  }
0x82: {  	_ =	shalt  }
0x83: {  	_ =	shalt  }
0x84: {  	_ =	shalt  }
0x85: {  	_ =	shalt  }
0x86: {  	_ =	shalt  }
0x87: {  	_ =	shalt  }
.Lfunc_end0:
.L_simem_size_0:
called_computation_lowered:
.L_overlay_start_0:
0x88: {  	s2 =	sld [smem:$0x3FD9]  }
0x89: {  	s3 =	sld [smem:$0x3FFE];
	_ =	sdelay $0x1  }
0x8a: {  	s1 =	srdreg.scid  }
0x8b: {  	s0 =	sand.u32 $0x1, s1  }
0x8c: {  	s14 =	sshll.u32 s0, $0xA;
	s2 =	sadd.s32 s3, s2  }
0x8d: {  	s2 =	sadd.s32 s2, s14  }
0x8e: {  	[smem:$0x3FC4] =	sst s2  }
0x8f: {  	_ = 	snop  }
0x90: {  	s2 =	sld [smem:$0x3FD0];
	_ =	sdelay $0x2  }
0x91: {  	s4 =	simm.s32 $0xA;
	s5 =	simm.s32 $0x10;
	s15 =	sld [smem:$0x3FC8]  }
0x92: {  	[smem:s5], [sflag:s4] =	dma.local [hbm:s2], $0x1  }
0x93: {  	_ =	swait.eq [sflag:s4], $0x1  }
0x94: {  	[sflag:s4] =	ssyncset.done $0x0  }
0x95: {  	[sflag:s4] =	ssyncadd.s32 $0xFFFFFFFF  }
0x96: {  	s16 =	sld [smem:$0x12];
	(tm) =	ssettm $0x1  }
0x97: {  	s17 =	sld [smem:$0x3FFB];
	_ =	sdelay $0x3  }
0x98: {  	_ =	strace s17  }
0x99: {  	s4 =	sld [smem:$0x3FFC];
	_ =	sdelay $0x3  }
0x9a: {  	_ =	strace s4  }
0x9b: {  	s4 =	sld [smem:$0x3FFD];
	_ =	sdelay $0x3  }
0x9c: {  	_ =	strace s4  }
0x9d: {  	_ =	strace $0x8FFFFFFF  }
0x9e: {  	s18 =	sld [smem:$0x3FDB];
	_ =	sdelay $0x1  }
0x9f: {  	s19 =	simm.s32 $_scs_section_size  }
0xa0: {  	s6 =	simm.s32 $_size__tile_overlayer_lowered;
	s7 =	simm.s32 $_tile_overlayer_lowered  }
0xa1: {  	s22 =	simm.s32 $0x1BFF;
	s21 =	sshll.u32 s7, $0x1;
	s4 =	sadd.s32 s19, s18  }
0xa2: {  	s8 =	simm.s32 $0x0;
	s20 =	sshll.u32 s6, $0x1;
	s6 =	sadd.s32 s21, s4  }
0xa3: {  	[timem:s8], [sflag:s22] =	dma.local [hbm:s6], s20  }
0xa4: {  	_ =	swait.ge [sflag:s22], s20  }
0xa5: {  	s5 =	ssub.s32 $0x0, s20;
	[sflag:s22] =	ssyncset.done $0x0  }
0xa6: {  	[sflag:s22] =	ssyncadd.s32 s5;
	_ =	sdelay $0x1  }
0xa7: {  	s23 =	simm.s32 $0x1B8B  }
0xa8: {  	_ =	swait.ge [sflag:s23], $0x1  }
0xa9: {  	[sflag:s23] =	ssyncset.done $0x0  }
0xaa: {  	s25 =	simm.s32 $0x1B8E;
	s24 =	sld [smem:$0x3FFE];
	[sflag:s23] =	ssyncadd.s32 $0xFFFFFFFF  }
0xab: {  	s26 =	simm.s32 $execute0_lowered;
	[smem:$0x3FD2] =	sst s25  }
0xac: {  	s6 =	sshll.u32 s26, $0x1;
	_ =	strace $0x80000046;
	[dreg:$0x1] =	wrdreg $0xFFFFFFFF  }
0xad: {  	s28 =	simm.s32 $_size_execute0_lowered;
	s4 =	sadd.s32 s4, s6;
	[dreg:$0x0] =	wrdreg $0x0  }
0xae: {  	s6 =	sshll.u32 s28, $0x1;
	[dreg:$0x2] =	wrdreg s4  }
0xaf: {  	[dreg:$0x3] =	wrdreg s6  }
0xb0: {  	[dreg:$0x4] =	wrdreg $0xC0  }
0xb1: {  	_ =	task [dreg:s8], $0x5FFFF  }
0xb2: {  	[dreg:$0x1] =	wrdreg $0xFFFFFFFF  }
0xb3: {  	[dreg:$0x0] =	wrdreg $0x60  }
0xb4: {  	[dreg:$0x2] =	wrdreg s15  }
0xb5: {  	[dreg:$0x3] =	wrdreg s24  }
0xb6: {  	[dreg:$0x4] =	wrdreg s16  }
0xb7: {  	[dreg:$0x5] =	wrdreg $0x0  }
0xb8: {  	[dreg:$0x6] =	wrdreg $0x9  }
0xb9: {  	_ =	task.clear_ibuf [dreg:s8], $0x7FFFF;
	_ =	strace $0x90000046  }
0xba: {  	s29 =	simm.s32 $0x9;
	_ =	strace $0x80000048  }
0xbb: {  	_ =	swait.ge [sflag:s29], $0x1  }
0xbc: {  	[sflag:s29] =	ssyncadd.s32 $0xFFFFFFFF  }
0xbd: {  	_ =	strace $0x90000048  }
0xbe: {  	_ =	sfence  }
0xbf: {  	s30 =	sld [smem:$0x0];
	_ =	sdelay $0x2  }
0xc0: {  	s31 =	sshll.u32 s1, $0xD;
	s1 =	sshrl.u32 s1, $0x2  }
0xc1: {  	s3 =	sand.u32 $0x4000, s31;
	s1 =	sadd.s32 s1, s30  }
0xc2: {  	s0 =	sor.u32 s3, s0;
	s1 =	sshll.u32 s1, $0x11  }
0xc3: {  	s0 =	sor.u32 s1, s0  }
0xc4: {  	s0 =	sadd.s32 $0x8F2B, s0  }
0xc5: {  	[sflag:s0] =	ssyncadd.remote.s32 $0x1  }
0xc6: {  	_ =	sfence.sel $0xFFFF  }
0xc7: {  	[dreg:$0x0] =	wrdreg $0xFFFFFFFF;
	(pc) =	sbr.abs _section_cstart, $3  }
0xc8: {  	[dreg:$0x1] =	wrdreg $0xFFFFFFFF  }
0xc9: {  	_ =	task.clear_ibuf [dreg:s8], $0x2FFFF;
	_ =	strace $0x9FFFFFFF  }
0xca: {  	(tm) =	ssettm $0x7FFFFFFF  }
0xcb: {  	_ =	shalt  }
tec
execute0_lowered:
.L_overlay_start_1:
0x0: {  	(tag) =	ssettag $0x1  }
0x1: {  	s0 =	rddreg [dreg:$0x0]  }
0x2: {  	s3 =	rddreg [dreg:$0x1]  }
0x3: {  	s12 =	rddreg [dreg:$0x2];
	s2 =	srdreg.scid  }
0x4: {  	s11 =	stileid.u32;
	s1 =	rddreg [dreg:$0x3]  }
0x5: {  	s25 =	simm.s32 $0x0;
	s19 =	simm.s32 $0x6C80;
	s30 =	smul.u32 $0xC8000, s11  }
0x6: {  	s20 =	simm.s32 $0x2;
	s10 =	sand.u32 $0x1, s2;
	s16 =	smul.u32 $0x19000, s11  }
0x7: {  	s21 =	simm.s32 $0x3;
	s4 =	sshll.u32 s11, $0x1;
	s14 =	smul.u32 $0x64000, s10  }
0x8: {  	s22 =	simm.s32 $0x4;
	s15 =	sor.u32 s10, s4;
	s17 =	smul.u32 $0xC800, s10  }
0x9: {  	s23 =	simm.s32 $0x0;
	[smem:$0x7FF] =	sst s25;
	s4 =	smul.u32 $0xFFFFFFE7, s15  }
0xa: {  	s26 =	sadd.s32 $0x1200, s3;
	_ =	strace $0x80000047;
	s7 =	smul.u32 $0xC80, s15  }
0xb: {  	[dreg:$0x5] =	wrdreg s26;
	s5 =	ssub.s32 $0x2, s10;
	s13 =	smul.u32 $0x64000, s15  }
0xc: {  	s6 =	sshrl.u32 s5, $0x1;
	s9 =	smul.u32 $0xC800, s15;
	s31 =	sadd.s32 s16, s12  }
0xd: {  	p1 =	seq.s32 s15, $0x1F;
	s16 =	simm.s32 $0x2C80;
	p2 =	sne.s32 s15, $0x1F  }
0xe: {  	s8 =	ssub.s32 s5, s6;
	s6 =	sadd.s32 $0x3070, s0;
	p0 =	slt.s32 s4, $0xFFFFFD0C  }
0xf: {  	s28 =	sshrl.u32 s7, $0x3;
	s7 =	sadd.s32 $0x186800, s12;
	s8 =	smax.u32 s8, $0x1  }
0x10: {  	s9 =	sadd.s32 s12, s9;
	s13 =	sshrl.u32 s13, $0x3;
	s4 =	simm.s32 @!p0 $0xFFFFFD0C  }
0x11: {  	s29 =	sadd.s32 s0, s28;
	s13 =	sadd.s32 s12, s13;
	s0 =	sadd.s32 s14, s30  }
0x12: {  	p0 =	sne.s32 s11, $0x0;
	s14 =	simm.s32 $0x80;
	s4 =	sadd.s32 $0x30D, s4  }
0x13: {  	[dreg:$0x6] =	wrdreg s29;
	s10 =	sadd.s32 $0x800, s13;
	s0 =	sadd.s32 $0xC000, s0  }
0x14: {  	s13 =	sadd.s32 s17, s31;
	s17 =	simm.s32 $0x1;
	s0 =	sshrl.u32 s0, $0x3  }
0x15: {  	s11 =	sadd.s32 $0x1000, s13;
	s13 =	sshrl.u32 @!p0 s1, $0x3;
	s12 =	sadd.s32 s0, s12  }
.LBB2_1:
0x16: {  	s0 =	simm.s32 @!p0 $0x1C06;
	s2 =	rddreg [dreg:$0x5]  }
0x17: {  	[spmem:s13], [sflag:s0] =	dma.local @!p0 [hbm:s2], $0x4000  }
0x18: {  	s0 =	simm.s32 @!p0 $0x6  }
0x19: {  	_ =	swait.ge @!p0 [sflag:s0], $0x4000  }
0x1a: {  	[sflag:s0] =	ssyncset.done @!p0 $0x0  }
0x1b: {  	[sflag:s0] =	ssyncadd.s32 @!p0 $0xFFFFC000  }
0x1c: {  	s15 =	simm.s32 @p1 $0x2000;
	s0 =	simm.s32 @p1 $0x0;
	[bflag:$0x0] =	sbarrier.arrive $0xFFFF  }
0x1d: {  	[tilespmem:s15], [sflag:$0x6] =	stream.linear.gather @p1 [hbm4b:s6+s0], $0x320, $0x38;
	[tilespmem:$0xBC80] =	vst v63  }
0x1e: {  	s0 =	simm.s32 @p1 $0x6  }
0x1f: {  	_ =	swait.ge @p1 [sflag:s0], $0x320  }
0x20: {  	s15 =	simm.s32 @!p1 $0x2000;
	[sflag:s0] =	ssyncset.done @p1 $0x0  }
0x21: {  	s2 =	rddreg [dreg:$0x6];
	[sflag:s0] =	ssyncadd.s32 @p1 $0xFFFFFCE0;
	s0 =	simm.s32 @!p1 $0x0  }
0x22: {  	[tilespmem:s15], [sflag:$0x6] =	stream.linear.gather @!p1 [hbm4b:s2+s0], $0xC80, $0x38;
	[tilespmem:$0xBC80] =	vst v63  }
0x23: {  	s0 =	simm.s32 @!p1 $0x6  }
0x24: {  	_ =	swait.ge @!p1 [sflag:s0], $0xC80  }
0x25: {  	[sflag:s0] =	ssyncset.done @!p1 $0x0  }
0x26: {  	s24 =	simm.s32 $0x2000;
	[sflag:s0] =	ssyncadd.s32 @!p1 $0xFFFFF380  }
0x27: {  	[tilespmem:s16], [sflag:$0x1] =	stream.indirect.gather [spmem:s1], $0x80, s24, s14, $0xb8;
	[tilespmem:$0xBC80] =	vst v63  }
0x28: {  	_ =	swait.ge [sflag:s17], $0x4000  }
0x29: {  	[sflag:s17] =	ssyncset.done $0x0  }
0x2a: {  	s25 =	simm.s32 $0x0;
	[sflag:s17] =	ssyncadd.s32 $0xFFFFC000  }
0x2b: {  	[hbm4b:s9+s25] =	stream.linear.scatter [tilespmem:s16], [sflag:$0x3], $0x4000, $0x38;
	[tilespmem:$0xBC80] =	vst v63  }
0x2c: {  	s26 =	simm.s32 $0x2080  }
0x2d: {  	[tilespmem:s19], [sflag:$0x2] =	stream.indirect.gather [spmem:s1], $0x80, s26, s14, $0xb8;
	[tilespmem:$0xBC80] =	vst v63  }
0x2e: {  	_ =	swait.ge [sflag:s20], $0x4000  }
0x2f: {  	p3 =	sle.u32 s4, $0x2;
	[sflag:s20] =	ssyncset.done $0x0  }
0x30: {  	s0 =	simm.s32 @!p3 $0x3;
	[sflag:s20] =	ssyncadd.s32 $0xFFFFC000  }
0x31: {  	[hbm4b:s10+s25] =	stream.linear.scatter [tilespmem:s19], [sflag:$0x4], $0x4000, $0x38;
	[tilespmem:$0xBC80] =	vst v63  }
0x32: {  	p4 =	sle.u32 s4, $0x3;
	_ =	swait.ge @!p3 [sflag:s0], $0x4000  }
0x33: {  	s15 =	simm.s32 $0x2100;
	s24 =	simm.s32 @!p3 $0x1;
	[sflag:s0] =	ssyncset.done @!p3 $0x0  }
0x34: {  	s26 =	simm.s32 @!p3 $0x2C80;
	s25 =	simm.s32 @!p3 $0x80;
	[sflag:s0] =	ssyncadd.s32 @!p3 $0xFFFFC000  }
0x35: {  	[tilespmem:s26], [sflag:$0x1] =	stream.indirect.gather @!p3 [spmem:s1], $0x80, s15, s25, $0xb8;
	[tilespmem:$0xBC80] =	vst v63  }
0x36: {  	s29 =	simm.s32 $0x7;
	s28 =	simm.s32 $0x2200;
	_ =	swait.ge @!p3 [sflag:s24], $0x4000  }
0x37: {  	s30 =	smov.u32 s12;
	s31 =	simm.s32 @!p4 $0x6C80;
	[sflag:s24] =	ssyncset.done @!p3 $0x0  }
0x38: {  	s0 =	simm.s32 @!p3 $0x0;
	s15 =	simm.s32 @!p4 $0x4;
	[sflag:s24] =	ssyncadd.s32 @!p3 $0xFFFFC000  }
0x39: {  	[hbm4b:s11+s0] =	stream.linear.scatter @!p3 [tilespmem:s26], [sflag:$0x3], $0x4000, $0x38;
	[tilespmem:$0xBC80] =	vst v63  }
0x3a: {  	s25 =	sadd.s32 $0x1000, s11;
	s24 =	simm.s32 @!p4 $0x80;
	_ =	swait.ge @!p4 [sflag:s15], $0x4000  }
0x3b: {  	s26 =	simm.s32 $0x5;
	s0 =	simm.s32 @!p4 $0x2180;
	[sflag:s15] =	ssyncset.done @!p4 $0x0  }
0x3c: {  	p3 =	sle.u32 s4, $0x4;
	[sflag:s15] =	ssyncadd.s32 @!p4 $0xFFFFC000;
	s15 =	simm.s32 @!p4 $0x2  }
0x3d: {  	[tilespmem:s31], [sflag:$0x2] =	stream.indirect.gather @!p4 [spmem:s1], $0x80, s0, s24, $0xb8;
	[tilespmem:$0xBC80] =	vst v63  }
0x3e: {  	s24 =	sadd.s32 $0x1000, s12;
	s0 =	simm.s32 @!p4 $0x0;
	_ =	swait.ge @!p4 [sflag:s15], $0x4000  }
.LBB2_2:
0x3f: {  	s18 =	simm.s32 @!p3 $0x3;
	[sflag:s15] =	ssyncset.done @!p4 $0x0;
	s2 =	smov.u32 s26  }
0x40: {  	s26 =	smov.u32 s29;
	s29 =	sadd.s32 $0x2, s29;
	s3 =	smov.u32 s25  }
0x41: {  	p5 =	sne.s32 s29, $0x1B;
	[sflag:s15] =	ssyncadd.s32 @!p4 $0xFFFFC000  }
0x42: {  	[hbm4b:s30+s0] =	stream.linear.scatter @!p4 [tilespmem:s31], [sflag:$0x4], $0x4000, $0x38;
	[tilespmem:$0xBC80] =	vst v63  }
0x43: {  	s0 =	simm.s32 @!p3 $0x1;
	s30 =	smov.u32 s24;
	_ =	swait.ge @!p3 [sflag:s18], $0x4000  }
0x44: {  	s15 =	simm.s32 @!p3 $0x80;
	s31 =	simm.s32 @!p3 $0x2C80;
	[sflag:s18] =	ssyncset.done @!p3 $0x0  }
0x45: {  	[sflag:s18] =	ssyncadd.s32 @!p3 $0xFFFFC000  }
0x46: {  	[tilespmem:s31], [sflag:$0x1] =	stream.indirect.gather @!p3 [spmem:s1], $0x80, s28, s15, $0xb8;
	[tilespmem:$0xBC80] =	vst v63  }
0x47: {  	s25 =	sadd.s32 $0x1000, s25;
	s24 =	sadd.s32 $0x1000, s24;
	_ =	swait.ge @!p3 [sflag:s0], $0x4000  }
0x48: {  	p4 =	sge.u32 s2, s4;
	s15 =	simm.s32 @!p3 $0x0;
	[sflag:s0] =	ssyncset.done @!p3 $0x0  }
0x49: {  	s2 =	simm.s32 @!p4 $0x4;
	[sflag:s0] =	ssyncadd.s32 @!p3 $0xFFFFC000;
	s0 =	simm.s32 @!p4 $0x0  }
0x4a: {  	[hbm4b:s3+s15] =	stream.linear.scatter @!p3 [tilespmem:s31], [sflag:$0x3], $0x4000, $0x38;
	[tilespmem:$0xBC80] =	vst v63  }
.Ltmp0:
0x4b: {  	s31 =	simm.s32 @!p4 $0x6C80;
	_ =	swait.ge @!p4 [sflag:s2], $0x4000;
	(pc) =	sbr.rel @p5 .LBB2_2-.Ltmp0, $4  }
0x4c: {  	s18 =	simm.s32 @!p4 $0x80;
	s3 =	sadd.s32 @!p4 $0x80, s28;
	[sflag:s2] =	ssyncset.done @!p4 $0x0  }
0x4d: {  	s5 =	sadd.s32 $0xFFFFFFFF, s26;
	s15 =	simm.s32 @!p4 $0x2;
	[sflag:s2] =	ssyncadd.s32 @!p4 $0xFFFFC000  }
0x4e: {  	[tilespmem:s31], [sflag:$0x2] =	stream.indirect.gather @!p4 [spmem:s1], $0x80, s3, s18, $0xb8;
	[tilespmem:$0xBC80] =	vst v63  }
0x4f: {  	p3 =	sge.u32 s5, s4;
	s28 =	sadd.s32 $0x100, s28;
	_ =	swait.ge @!p4 [sflag:s15], $0x4000  }
0x50: {  	[sflag:s15] =	ssyncset.done @!p4 $0x0  }
0x51: {  	s2 =	simm.s32 @!p3 $0x3;
	[sflag:s15] =	ssyncadd.s32 @!p4 $0xFFFFC000  }
0x52: {  	[hbm4b:s30+s0] =	stream.linear.scatter @!p4 [tilespmem:s31], [sflag:$0x4], $0x4000, $0x38;
	[tilespmem:$0xBC80] =	vst v63  }
0x53: {  	_ =	swait.ge @!p3 [sflag:s2], $0x4000  }
0x54: {  	s3 =	simm.s32 @!p3 $0x80;
	[sflag:s2] =	ssyncset.done @!p3 $0x0  }
0x55: {  	s5 =	simm.s32 @!p3 $0x2C80;
	s0 =	simm.s32 @!p3 $0x1;
	[sflag:s2] =	ssyncadd.s32 @!p3 $0xFFFFC000  }
0x56: {  	[tilespmem:s5], [sflag:$0x1] =	stream.indirect.gather @!p3 [spmem:s1], $0x80, s28, s3, $0xb8;
	[tilespmem:$0xBC80] =	vst v63  }
0x57: {  	_ =	swait.ge @!p3 [sflag:s0], $0x4000  }
0x58: {  	p4 =	sge.u32 s26, s4;
	[sflag:s0] =	ssyncset.done @!p3 $0x0  }
0x59: {  	s2 =	simm.s32 @!p3 $0x0;
	[sflag:s0] =	ssyncadd.s32 @!p3 $0xFFFFC000;
	s0 =	simm.s32 @!p4 $0x4  }
0x5a: {  	[hbm4b:s25+s2] =	stream.linear.scatter @!p3 [tilespmem:s5], [sflag:$0x3], $0x4000, $0x38;
	[tilespmem:$0xBC80] =	vst v63  }
0x5b: {  	_ =	swait.ge @!p4 [sflag:s0], $0x4000  }
0x5c: {  	s3 =	sadd.s32 @!p4 $0x80, s28;
	s2 =	simm.s32 @!p4 $0x6C80;
	[sflag:s0] =	ssyncset.done @!p4 $0x0  }
0x5d: {  	s5 =	simm.s32 @!p4 $0x80;
	[sflag:s0] =	ssyncadd.s32 @!p4 $0xFFFFC000;
	s0 =	simm.s32 @!p4 $0x2  }
0x5e: {  	[tilespmem:s2], [sflag:$0x2] =	stream.indirect.gather @!p4 [spmem:s1], $0x80, s3, s5, $0xb8;
	[tilespmem:$0xBC80] =	vst v63  }
0x5f: {  	_ =	swait.ge @!p4 [sflag:s0], $0x4000  }
0x60: {  	[sflag:s0] =	ssyncset.done @!p4 $0x0  }
0x61: {  	s3 =	simm.s32 @!p4 $0x0;
	[sflag:s0] =	ssyncadd.s32 @!p4 $0xFFFFC000  }
0x62: {  	[hbm4b:s24+s3] =	stream.linear.scatter @!p4 [tilespmem:s2], [sflag:$0x4], $0x4000, $0x38;
	[tilespmem:$0xBC80] =	vst v63  }
0x63: {  	_ =	swait.ge [sflag:s21], $0x4000  }
0x64: {  	[sflag:s21] =	ssyncset.done $0x0  }
0x65: {  	[sflag:s21] =	ssyncadd.s32 $0xFFFFC000  }
0x66: {  	_ =	swait.ge [sflag:s22], $0x4000  }
0x67: {  	s0 =	simm.s32 @!p2 $0x20;
	[sflag:s22] =	ssyncset.done $0x0  }
0x68: {  	s2 =	simm.s32 @!p2 $0x2300;
	s3 =	simm.s32 @!p2 $0xAC80;
	[sflag:s22] =	ssyncadd.s32 $0xFFFFC000  }
0x69: {  	[tilespmem:s3], [sflag:$0x5] =	stream.indirect.gather @!p2 [spmem:s1], $0x80, s2, s0, $0xb8;
	[tilespmem:$0xBC80] =	vst v63  }
0x6a: {  	s0 =	simm.s32 @!p2 $0x5  }
0x6b: {  	s23 =	sadd.s32 $0x1, s23;
	_ =	swait.ge @!p2 [sflag:s0], $0x1000  }
0x6c: {  	p3 =	sne.s32 s23, s8;
	[sflag:s0] =	ssyncset.done @!p2 $0x0  }
.Ltmp1:
0x6d: {  	s2 =	simm.s32 @!p2 $0x0;
	[sflag:s0] =	ssyncadd.s32 @!p2 $0xFFFFF000;
	(pc) =	sbr.rel @p3 .LBB2_1-.Ltmp1, $4  }
0x6e: {  	[hbm4b:s7+s2] =	stream.linear.scatter @!p2 [tilespmem:s3], [sflag:$0x5], $0x1000, $0x38;
	[tilespmem:$0xBC80] =	vst v63  }
0x6f: {  	_ =	swait.ge @!p2 [sflag:s0], $0x1000  }
0x70: {  	[sflag:s0] =	ssyncset.done @!p2 $0x0  }
0x71: {  	[sflag:s0] =	ssyncadd.s32 @!p2 $0xFFFFF000  }
0x72: {  	_ =	sfence.sel $0x180000  }
0x73: {  	[bflag:$0x0] =	sbarrier.arrive $0xFFFF  }
0x74: {  	_ =	strace $0x90000047  }
0x75: {  	[bflag:$0x2] =	sbarrier.arrive $0xFFFF  }
0x76: {  	s0 =	rddreg [dreg:$0x4]  }
0x77: {  	s0 =	sadd.s32 @!p0 $0x100000, s0  }
0x78: {  	[sflag:s0] =	ssyncadd.tile.s32 @!p0 $0x1;
	_ =	shalt  }
.Lfunc_end2:
_tile_overlayer_lowered:
.L_overlay_start_2:
0x79: {  	(tag) =	ssettag $0x2  }
0x7a: {  	s0 =	rddreg [dreg:$0x0];
	s2 =	stileid.u32  }
0x7b: {  	s1 =	rddreg [dreg:$0x1];
	p0 =	sne.s32 s2, $0x0  }
0x7c: {  	s3 =	rddreg [dreg:$0x2];
	[bflag:$0x3] =	sbarrier.arrive $0xFFFF;
	s2 =	simm.s32 @!p0 $0x1C06  }
0x7d: {  	[timem:s3], [sflag:s2] =	dma.local @!p0 [hbm:s0], s1  }
0x7e: {  	s0 =	simm.s32 @!p0 $0x6  }
0x7f: {  	_ =	swait.ge @!p0 [sflag:s0], s1  }
0x80: {  	s1 =	ssub.s32 @!p0 $0x0, s1;
	[sflag:s0] =	ssyncset.done @!p0 $0x0  }
0x81: {  	[sflag:s0] =	ssyncadd.s32 @!p0 s1  }
0x82: {  	[bflag:$0x3] =	sbarrier.arrive $0xFFFF  }
0x83: {  	_ =	shalt  }

</sc_bundles>
